<compile_context>
chip_gen: v7x
topology: tpu7x:2x2x1
jax: 0.10.2.dev20260603
libtpu: 0.0.44.dev20260713+nightly
codegen_flags: <defaults>
</compile_context>

<pallas_src>
import functools

import jax
import jax.numpy as jnp
from jax import lax
from jax.experimental import pallas as pl
from jax.experimental.pallas import tpu as pltpu
from jax.experimental.pallas import tpu_sc as plsc

N = 100000
F = 10
V = 500
D = 128

NC = 2
NS = 16
L = 16

DSLICES = 8
GROUPS = 4
NP = 100352
ROWS_PER_GROUP = NP // GROUPS
CHUNK = 512
CHUNKS = ROWS_PER_GROUP // CHUNK
BLOCKS = CHUNK // L
NBUF = 2


def _sc_body(xt_hbm, em2_hbm, out_hbm, tbl_v, xt_v, out_v, in_sems, out_sems):
    cid = lax.axis_index("c")
    sid = lax.axis_index("s")
    wid = sid * NC + cid
    k = lax.rem(wid, DSLICES)
    g = wid // DSLICES

    pltpu.sync_copy(em2_hbm.at[k], tbl_v)
    row0 = g * ROWS_PER_GROUP

    def start_in(c, buf):
        base = row0 + c * CHUNK
        pltpu.make_async_copy(
            xt_hbm.at[:, pl.ds(base, CHUNK)], xt_v.at[buf], in_sems.at[buf]
        ).start()

    def wait_in(buf):
        pltpu.make_async_copy(
            xt_hbm.at[:, pl.ds(0, CHUNK)], xt_v.at[buf], in_sems.at[buf]
        ).wait()

    def start_out(c, buf):
        base = row0 + c * CHUNK
        pltpu.make_async_copy(
            out_v.at[buf], out_hbm.at[k, pl.ds(base, CHUNK)],
            out_sems.at[buf],
        ).start()

    def wait_out(buf):
        pltpu.make_async_copy(
            out_v.at[buf], out_hbm.at[0, pl.ds(0, CHUNK)],
            out_sems.at[buf],
        ).wait()

    start_in(0, 0)

    def chunk_body(c, carry):
        buf = lax.rem(c, NBUF)
        wait_in(buf)

        @pl.when(c + 1 < CHUNKS)
        def _():
            start_in(c + 1, lax.rem(c + 1, NBUF))

        def block_body(b, bcarry):
            b16 = pl.multiple_of(b * L, L)
            rows = b * L + lax.iota(jnp.int32, L)
            idx = [xt_v[buf, i, pl.ds(b16, L)] for i in range(F)]
            for d in range(L):
                dcol = jnp.full((L,), d, jnp.int32)
                gs = [plsc.load_gather(tbl_v, [idx[i], dcol]) for i in range(F)]
                while len(gs) > 1:
                    gs = [gs[j] + gs[j + 1] for j in range(0, len(gs) - 1, 2)] + (
                        [gs[-1]] if len(gs) % 2 else [])
                plsc.store_scatter(out_v.at[buf], [rows, dcol], gs[0])
            return bcarry

        @pl.when(c >= NBUF)
        def _():
            wait_out(buf)

        lax.fori_loop(0, BLOCKS, block_body, 0)
        start_out(c, buf)
        return carry

    lax.fori_loop(0, CHUNKS, chunk_body, 0)
    wait_out(lax.rem(CHUNKS - 2, NBUF))
    wait_out(lax.rem(CHUNKS - 1, NBUF))


def kernel(x, emb):
    if x.ndim == 1:
        x = x[:, None]
    xt = x.astype(jnp.int32).T + (V * jnp.arange(F, dtype=jnp.int32))[:, None]
    xt = jnp.pad(xt, ((0, 0), (0, NP - N)))
    em2 = emb.reshape(F * V, DSLICES, L).transpose(1, 0, 2)

    mesh = plsc.VectorSubcoreMesh(
        core_axis_name="c", subcore_axis_name="s", num_cores=NC,
        num_subcores=NS)
    run = pl.kernel(
        _sc_body,
        out_type=jax.ShapeDtypeStruct((DSLICES, NP, L), jnp.float32),
        mesh=mesh,
        compiler_params=pltpu.CompilerParams(
            use_tc_tiling_on_sc=False, needs_layout_passes=False),
        scratch_types=[
            pltpu.VMEM((F * V, L), jnp.float32),
            pltpu.VMEM((NBUF, F, CHUNK), jnp.int32),
            pltpu.VMEM((NBUF, CHUNK, L), jnp.float32),
            pltpu.SemaphoreType.DMA((NBUF,)),
            pltpu.SemaphoreType.DMA((NBUF,)),
        ],
    )
    out3 = run(xt, em2)
    return out3.transpose(1, 0, 2).reshape(NP, D)[:N]

# --- scband reference (transcript-rebuilt; emitter-appended) ---
"""Pipeline reference for scband-discrete-encoder-39290360824121 (READ-ONLY COPY).

The authoritative reference and input builder live on the scoring server;
editing this copy changes nothing except your own understanding.
"""

import jax, jax.numpy as jnp
import numpy as np

N = 100000
F = 10
V = 500
D = 128

def setup_inputs(seed: int = 0) -> dict:
    key = jax.random.key(seed)
    k1, k2 = jax.random.split(key)
    x = jax.random.randint(k1, (N, F), 0, V, dtype=jnp.int32)
    # 10 embedding tables, each [max_num_values, hidden_channels]
    emb = jax.random.normal(k2, (F, V, D), dtype=jnp.float32)
    return {"x": x, "emb": emb}

def reference(x, emb):
    # DiscreteEncoder.forward: out = sum_i embeddings[i](x[:, i])
    if x.ndim == 1:
        x = x[:, None]
    out = jnp.zeros((x.shape[0], emb.shape[-1]), dtype=emb.dtype)
    for i in range(x.shape[1]):
        out = out + jnp.take(emb[i], x[:, i], axis=0)
    return out

if __name__ == "__main__":
    import jax
    _d = setup_inputs()
    print(jax.jit(kernel)(*tuple(_d.values())))

</pallas_src>

<mosaic_0001>
#map = affine_map<(d0, d1) -> (0, 0)>
#map1 = affine_map<(d0, d1) -> (0, 0, 0)>
module attributes {stable_mosaic.version = 14 : i64} {
  func.func @_sc_body(%arg0: i32, %arg1: i32, %arg2: memref<10x100352xi32, #tpu.memory_space<hbm>>, %arg3: memref<8x5000x16xf32, #tpu.memory_space<hbm>>, %arg4: memref<8x100352x16xf32, #tpu.memory_space<hbm>>, %arg5: memref<5000x16xf32, #tpu.memory_space<vmem>>, %arg6: memref<2x10x512xi32, #tpu.memory_space<vmem>>, %arg7: memref<2x512x16xf32, #tpu.memory_space<vmem>>, %arg8: memref<2x!tpu.dma_semaphore, #tpu.memory_space<semaphore_mem>>, %arg9: memref<2x!tpu.dma_semaphore, #tpu.memory_space<semaphore_mem>>) attributes {dimension_semantics = [#tpu.dimension_semantics<core_parallel>, #tpu.dimension_semantics<subcore_parallel>], iteration_bounds = array<i64: 2, 16>, scalar_prefetch = 0 : i64, scratch_operands = 5 : i64, tpu.core_type = #tpu.core_type<sc_vector_subcore>, window_params = [{transform_indices = #map}, {transform_indices = #map1}, {transform_indices = #map1}]} {
    %mul3A = arith.constant 2 : i32
    %mul3A_0 = arith.muli %arg1, %mul3A : i32
    %add3A = arith.addi %mul3A_0, %arg0 : i32
    %rem3A = arith.constant 8 : i32
    %rem3A_1 = arith.remsi %add3A, %rem3A : i32
    %jit3A = arith.constant 8 : i32
    %div3A = arith.divsi %add3A, %jit3A : i32
    %sign3A = arith.constant 0 : i32
    %sign3A_2 = arith.cmpi sgt, %add3A, %sign3A : i32
    %sign3A_3 = arith.extui %sign3A_2 : i1 to i32
    %sign3A_4 = arith.constant 0 : i32
    %sign3A_5 = arith.cmpi slt, %add3A, %sign3A_4 : i32
    %sign3A_6 = arith.extui %sign3A_5 : i1 to i32
    %sign3A_7 = arith.subi %sign3A_3, %sign3A_6 : i32
    %sign3A_8 = arith.constant 0 : i32
    %sign3A_9 = arith.cmpi sgt, %jit3A, %sign3A_8 : i32
    %sign3A_10 = arith.extui %sign3A_9 : i1 to i32
    %sign3A_11 = arith.constant 0 : i32
    %sign3A_12 = arith.cmpi slt, %jit3A, %sign3A_11 : i32
    %sign3A_13 = arith.extui %sign3A_12 : i1 to i32
    %sign3A_14 = arith.subi %sign3A_10, %sign3A_13 : i32
    %ne3A = arith.cmpi ne, %sign3A_7, %sign3A_14 : i32
    %rem3A_15 = arith.remsi %add3A, %jit3A : i32
    %ne3A_16 = arith.constant 0 : i32
    %ne3A_17 = arith.cmpi ne, %rem3A_15, %ne3A_16 : i32
    %and3A = arith.andi %ne3A, %ne3A_17 : i1
    %sub3A = arith.constant 1 : i32
    %sub3A_18 = arith.subi %div3A, %sub3A : i32
    %select_n3A = arith.select %and3A, %sub3A_18, %div3A : i32
    "tpu.region"() ({
      %run_scoped3A = tpu.sem_alloc : memref<!tpu.dma_semaphore, #tpu.memory_space<semaphore_mem>>
      %dma_start3A_86 = arith.constant 0 : i32
      %dma_start3A_87 = arith.constant 0 : i32
      %dma_start3A_88 = tpu.memref_slice %arg3[%rem3A_1, %dma_start3A_86, %dma_start3A_87] : memref<8x5000x16xf32, #tpu.memory_space<hbm>> -> memref<1x5000x16xf32, #tpu.memory_space<hbm>>
      %dma_start3A_89 = tpu.memref_squeeze %dma_start3A_88 : memref<1x5000x16xf32, #tpu.memory_space<hbm>> -> memref<5000x16xf32, #tpu.memory_space<hbm>>
      %dma_start3A_90 = arith.constant 0 : i32
      %dma_start3A_91 = arith.constant 0 : i32
      %dma_start3A_92 = tpu.memref_slice %arg3[%rem3A_1, %dma_start3A_90, %dma_start3A_91] : memref<8x5000x16xf32, #tpu.memory_space<hbm>> -> memref<1x5000x16xf32, #tpu.memory_space<hbm>>
      %dma_start3A_93 = tpu.memref_squeeze %dma_start3A_92 : memref<1x5000x16xf32, #tpu.memory_space<hbm>> -> memref<5000x16xf32, #tpu.memory_space<hbm>>
      tpu.enqueue_dma source(%dma_start3A_93 : memref<5000x16xf32, #tpu.memory_space<hbm>>) target(%arg5 : memref<5000x16xf32, #tpu.memory_space<vmem>>) target_semaphore(%run_scoped3A : memref<!tpu.dma_semaphore, #tpu.memory_space<semaphore_mem>>)
      %dma_wait3A_94 = arith.constant 0 : i32
      %dma_wait3A_95 = arith.constant 0 : i32
      %dma_wait3A_96 = tpu.memref_slice %arg3[%rem3A_1, %dma_wait3A_94, %dma_wait3A_95] : memref<8x5000x16xf32, #tpu.memory_space<hbm>> -> memref<1x5000x16xf32, #tpu.memory_space<hbm>>
      %dma_wait3A_97 = tpu.memref_squeeze %dma_wait3A_96 : memref<1x5000x16xf32, #tpu.memory_space<hbm>> -> memref<5000x16xf32, #tpu.memory_space<hbm>>
      %dma_wait3A_98 = arith.constant 0 : i32
      %dma_wait3A_99 = arith.constant 0 : i32
      %dma_wait3A_100 = tpu.memref_slice %arg3[%rem3A_1, %dma_wait3A_98, %dma_wait3A_99] : memref<8x5000x16xf32, #tpu.memory_space<hbm>> -> memref<1x5000x16xf32, #tpu.memory_space<hbm>>
      %dma_wait3A_101 = tpu.memref_squeeze %dma_wait3A_100 : memref<1x5000x16xf32, #tpu.memory_space<hbm>> -> memref<5000x16xf32, #tpu.memory_space<hbm>>
      tpu.wait_dma2 semaphore(%run_scoped3A : memref<!tpu.dma_semaphore, #tpu.memory_space<semaphore_mem>>) src(%dma_wait3A_101 : memref<5000x16xf32, #tpu.memory_space<hbm>>) dst(%arg5 : memref<5000x16xf32, #tpu.memory_space<vmem>>)
      tpu.yield
    }) : () -> ()
    %mul3A_19 = arith.constant 25088 : i32
    %mul3A_20 = arith.muli %select_n3A, %mul3A_19 : i32
    %add3A_21 = arith.constant 0 : i32
    %add3A_22 = arith.addi %mul3A_20, %add3A_21 : i32
    %dma_start3A = arith.constant 0 : i32
    %dma_start3A_23 = arith.constant 0 : i32
    %dma_start3A_24 = arith.constant 0 : i32
    %dma_start3A_25 = arith.constant 0 : i32
    %dma_start3A_26 = tpu.memref_slice %arg6[%dma_start3A, %dma_start3A_24, %dma_start3A_25] : memref<2x10x512xi32, #tpu.memory_space<vmem>> -> memref<1x10x512xi32, #tpu.memory_space<vmem>>
    %dma_start3A_27 = tpu.memref_squeeze %dma_start3A_26 : memref<1x10x512xi32, #tpu.memory_space<vmem>> -> memref<10x512xi32, #tpu.memory_space<vmem>>
    %dma_start3A_28 = arith.constant 0 : i32
    %dma_start3A_29 = tpu.memref_slice %arg2[%dma_start3A_28, %add3A_22] : memref<10x100352xi32, #tpu.memory_space<hbm>> -> memref<10x512xi32, #tpu.memory_space<hbm>>
    %dma_start3A_30 = tpu.memref_slice %arg8[%dma_start3A_23] : memref<2x!tpu.dma_semaphore, #tpu.memory_space<semaphore_mem>> -> memref<1x!tpu.dma_semaphore, #tpu.memory_space<semaphore_mem>>
    %dma_start3A_31 = tpu.memref_squeeze %dma_start3A_30 : memref<1x!tpu.dma_semaphore, #tpu.memory_space<semaphore_mem>> -> memref<!tpu.dma_semaphore, #tpu.memory_space<semaphore_mem>>
    %dma_start3A_32 = arith.constant 0 : i32
    %dma_start3A_33 = arith.constant 0 : i32
    %dma_start3A_34 = tpu.memref_slice %arg6[%dma_start3A, %dma_start3A_32, %dma_start3A_33] : memref<2x10x512xi32, #tpu.memory_space<vmem>> -> memref<1x10x512xi32, #tpu.memory_space<vmem>>
    %dma_start3A_35 = tpu.memref_squeeze %dma_start3A_34 : memref<1x10x512xi32, #tpu.memory_space<vmem>> -> memref<10x512xi32, #tpu.memory_space<vmem>>
    %dma_start3A_36 = arith.constant 0 : i32
    %dma_start3A_37 = tpu.memref_slice %arg2[%dma_start3A_36, %add3A_22] : memref<10x100352xi32, #tpu.memory_space<hbm>> -> memref<10x512xi32, #tpu.memory_space<hbm>>
    tpu.enqueue_dma source(%dma_start3A_37 : memref<10x512xi32, #tpu.memory_space<hbm>>) target(%dma_start3A_35 : memref<10x512xi32, #tpu.memory_space<vmem>>) target_semaphore(%dma_start3A_31 : memref<!tpu.dma_semaphore, #tpu.memory_space<semaphore_mem>>)
    %scan3A = arith.constant 0 : i32
    %scan3A_38 = arith.constant 0 : i32
    %scan3A_39 = arith.constant 49 : i32
    %scan3A_40 = arith.addi %scan3A_38, %scan3A_39 : i32
    %scan3A_41 = arith.constant 1 : i32
    scf.for %scan3A_86 = %scan3A_38 to %scan3A_40 step %scan3A_41  : i32 {
      %rem3A_87 = arith.constant 2 : i32
      %rem3A_88 = arith.remsi %scan3A_86, %rem3A_87 : i32
      %dma_wait3A_89 = arith.constant 0 : i32
      %dma_wait3A_90 = arith.constant 0 : i32
      %dma_wait3A_91 = tpu.memref_slice %arg6[%rem3A_88, %dma_wait3A_89, %dma_wait3A_90] : memref<2x10x512xi32, #tpu.memory_space<vmem>> -> memref<1x10x512xi32, #tpu.memory_space<vmem>>
      %dma_wait3A_92 = tpu.memref_squeeze %dma_wait3A_91 : memref<1x10x512xi32, #tpu.memory_space<vmem>> -> memref<10x512xi32, #tpu.memory_space<vmem>>
      %dma_wait3A_93 = arith.constant 0 : i32
      %dma_wait3A_94 = arith.constant 0 : i32
      %dma_wait3A_95 = tpu.memref_slice %arg2[%dma_wait3A_93, %dma_wait3A_94] : memref<10x100352xi32, #tpu.memory_space<hbm>> -> memref<10x512xi32, #tpu.memory_space<hbm>>
      %dma_wait3A_96 = tpu.memref_slice %arg8[%rem3A_88] : memref<2x!tpu.dma_semaphore, #tpu.memory_space<semaphore_mem>> -> memref<1x!tpu.dma_semaphore, #tpu.memory_space<semaphore_mem>>
      %dma_wait3A_97 = tpu.memref_squeeze %dma_wait3A_96 : memref<1x!tpu.dma_semaphore, #tpu.memory_space<semaphore_mem>> -> memref<!tpu.dma_semaphore, #tpu.memory_space<semaphore_mem>>
      %dma_wait3A_98 = arith.constant 0 : i32
      %dma_wait3A_99 = arith.constant 0 : i32
      %dma_wait3A_100 = tpu.memref_slice %arg6[%rem3A_88, %dma_wait3A_98, %dma_wait3A_99] : memref<2x10x512xi32, #tpu.memory_space<vmem>> -> memref<1x10x512xi32, #tpu.memory_space<vmem>>
      %dma_wait3A_101 = tpu.memref_squeeze %dma_wait3A_100 : memref<1x10x512xi32, #tpu.memory_space<vmem>> -> memref<10x512xi32, #tpu.memory_space<vmem>>
      %dma_wait3A_102 = arith.constant 0 : i32
      %dma_wait3A_103 = arith.constant 0 : i32
      %dma_wait3A_104 = tpu.memref_slice %arg2[%dma_wait3A_102, %dma_wait3A_103] : memref<10x100352xi32, #tpu.memory_space<hbm>> -> memref<10x512xi32, #tpu.memory_space<hbm>>
      tpu.wait_dma2 semaphore(%dma_wait3A_97 : memref<!tpu.dma_semaphore, #tpu.memory_space<semaphore_mem>>) src(%dma_wait3A_104 : memref<10x512xi32, #tpu.memory_space<hbm>>) dst(%dma_wait3A_101 : memref<10x512xi32, #tpu.memory_space<vmem>>)
      %add3A_105 = arith.constant 1 : i32
      %add3A_106 = arith.addi %scan3A_86, %add3A_105 : i32
      %lt3A = arith.constant 49 : i32
      %lt3A_107 = arith.cmpi slt, %add3A_106, %lt3A : i32
      %convert_element_type3A = arith.extui %lt3A_107 : i1 to i32
      %cond3A = arith.constant 0 : i32
      %cond3A_108 = arith.cmpi ne, %convert_element_type3A, %cond3A : i32
      scf.if %cond3A_108 {
        %add3A_138 = arith.constant 1 : i32
        %add3A_139 = arith.addi %scan3A_86, %add3A_138 : i32
        %add3A_140 = arith.constant 1 : i32
        %add3A_141 = arith.addi %scan3A_86, %add3A_140 : i32
        %rem3A_142 = arith.constant 2 : i32
        %rem3A_143 = arith.remsi %add3A_141, %rem3A_142 : i32
        %mul3A_144 = arith.constant 512 : i32
        %mul3A_145 = arith.muli %add3A_139, %mul3A_144 : i32
        %add3A_146 = arith.addi %mul3A_20, %mul3A_145 : i32
        %dma_start3A_147 = arith.constant 0 : i32
        %dma_start3A_148 = arith.constant 0 : i32
        %dma_start3A_149 = tpu.memref_slice %arg6[%rem3A_143, %dma_start3A_147, %dma_start3A_148] : memref<2x10x512xi32, #tpu.memory_space<vmem>> -> memref<1x10x512xi32, #tpu.memory_space<vmem>>
        %dma_start3A_150 = tpu.memref_squeeze %dma_start3A_149 : memref<1x10x512xi32, #tpu.memory_space<vmem>> -> memref<10x512xi32, #tpu.memory_space<vmem>>
        %dma_start3A_151 = arith.constant 0 : i32
        %dma_start3A_152 = tpu.memref_slice %arg2[%dma_start3A_151, %add3A_146] : memref<10x100352xi32, #tpu.memory_space<hbm>> -> memref<10x512xi32, #tpu.memory_space<hbm>>
        %dma_start3A_153 = tpu.memref_slice %arg8[%rem3A_143] : memref<2x!tpu.dma_semaphore, #tpu.memory_space<semaphore_mem>> -> memref<1x!tpu.dma_semaphore, #tpu.memory_space<semaphore_mem>>
        %dma_start3A_154 = tpu.memref_squeeze %dma_start3A_153 : memref<1x!tpu.dma_semaphore, #tpu.memory_space<semaphore_mem>> -> memref<!tpu.dma_semaphore, #tpu.memory_space<semaphore_mem>>
        %dma_start3A_155 = arith.constant 0 : i32
        %dma_start3A_156 = arith.constant 0 : i32
        %dma_start3A_157 = tpu.memref_slice %arg6[%rem3A_143, %dma_start3A_155, %dma_start3A_156] : memref<2x10x512xi32, #tpu.memory_space<vmem>> -> memref<1x10x512xi32, #tpu.memory_space<vmem>>
        %dma_start3A_158 = tpu.memref_squeeze %dma_start3A_157 : memref<1x10x512xi32, #tpu.memory_space<vmem>> -> memref<10x512xi32, #tpu.memory_space<vmem>>
        %dma_start3A_159 = arith.constant 0 : i32
        %dma_start3A_160 = tpu.memref_slice %arg2[%dma_start3A_159, %add3A_146] : memref<10x100352xi32, #tpu.memory_space<hbm>> -> memref<10x512xi32, #tpu.memory_space<hbm>>
        tpu.enqueue_dma source(%dma_start3A_160 : memref<10x512xi32, #tpu.memory_space<hbm>>) target(%dma_start3A_158 : memref<10x512xi32, #tpu.memory_space<vmem>>) target_semaphore(%dma_start3A_154 : memref<!tpu.dma_semaphore, #tpu.memory_space<semaphore_mem>>)
      } else {
      }
      %ge3A = arith.constant 2 : i32
      %ge3A_109 = arith.cmpi sge, %scan3A_86, %ge3A : i32
      %convert_element_type3A_110 = arith.extui %ge3A_109 : i1 to i32
      %cond3A_111 = arith.constant 0 : i32
      %cond3A_112 = arith.cmpi ne, %convert_element_type3A_110, %cond3A_111 : i32
      scf.if %cond3A_112 {
        %dma_wait3A_138 = arith.constant 0 : i32
        %dma_wait3A_139 = arith.constant 0 : i32
        %dma_wait3A_140 = arith.constant 0 : i32
        %dma_wait3A_141 = tpu.memref_slice %arg7[%rem3A_88, %dma_wait3A_139, %dma_wait3A_140] : memref<2x512x16xf32, #tpu.memory_space<vmem>> -> memref<1x512x16xf32, #tpu.memory_space<vmem>>
        %dma_wait3A_142 = tpu.memref_squeeze %dma_wait3A_141 : memref<1x512x16xf32, #tpu.memory_space<vmem>> -> memref<512x16xf32, #tpu.memory_space<vmem>>
        %dma_wait3A_143 = arith.constant 0 : i32
        %dma_wait3A_144 = arith.constant 0 : i32
        %dma_wait3A_145 = tpu.memref_slice %arg4[%dma_wait3A_138, %dma_wait3A_143, %dma_wait3A_144] : memref<8x100352x16xf32, #tpu.memory_space<hbm>> -> memref<1x512x16xf32, #tpu.memory_space<hbm>>
        %dma_wait3A_146 = tpu.memref_squeeze %dma_wait3A_145 : memref<1x512x16xf32, #tpu.memory_space<hbm>> -> memref<512x16xf32, #tpu.memory_space<hbm>>
        %dma_wait3A_147 = tpu.memref_slice %arg9[%rem3A_88] : memref<2x!tpu.dma_semaphore, #tpu.memory_space<semaphore_mem>> -> memref<1x!tpu.dma_semaphore, #tpu.memory_space<semaphore_mem>>
        %dma_wait3A_148 = tpu.memref_squeeze %dma_wait3A_147 : memref<1x!tpu.dma_semaphore, #tpu.memory_space<semaphore_mem>> -> memref<!tpu.dma_semaphore, #tpu.memory_space<semaphore_mem>>
        %dma_wait3A_149 = arith.constant 0 : i32
        %dma_wait3A_150 = arith.constant 0 : i32
        %dma_wait3A_151 = tpu.memref_slice %arg4[%dma_wait3A_138, %dma_wait3A_149, %dma_wait3A_150] : memref<8x100352x16xf32, #tpu.memory_space<hbm>> -> memref<1x512x16xf32, #tpu.memory_space<hbm>>
        %dma_wait3A_152 = tpu.memref_squeeze %dma_wait3A_151 : memref<1x512x16xf32, #tpu.memory_space<hbm>> -> memref<512x16xf32, #tpu.memory_space<hbm>>
        %dma_wait3A_153 = arith.constant 0 : i32
        %dma_wait3A_154 = arith.constant 0 : i32
        %dma_wait3A_155 = tpu.memref_slice %arg7[%rem3A_88, %dma_wait3A_153, %dma_wait3A_154] : memref<2x512x16xf32, #tpu.memory_space<vmem>> -> memref<1x512x16xf32, #tpu.memory_space<vmem>>
        %dma_wait3A_156 = tpu.memref_squeeze %dma_wait3A_155 : memref<1x512x16xf32, #tpu.memory_space<vmem>> -> memref<512x16xf32, #tpu.memory_space<vmem>>
        tpu.wait_dma2 semaphore(%dma_wait3A_148 : memref<!tpu.dma_semaphore, #tpu.memory_space<semaphore_mem>>) src(%dma_wait3A_156 : memref<512x16xf32, #tpu.memory_space<vmem>>) dst(%dma_wait3A_152 : memref<512x16xf32, #tpu.memory_space<hbm>>)
      } else {
      }
      %scan3A_113 = arith.constant 0 : i32
      %scan3A_114 = arith.constant 0 : i32
      %scan3A_115 = arith.constant 32 : i32
      %scan3A_116 = arith.addi %scan3A_114, %scan3A_115 : i32
      %scan3A_117 = arith.constant 1 : i32
      scf.for %scan3A_138 = %scan3A_114 to %scan3A_116 step %scan3A_117  : i32 {
        %mul3A_139 = arith.constant 16 : i32
        %mul3A_140 = arith.muli %scan3A_138, %mul3A_139 : i32
        %multiple_of3A = tpu.assume_multiple %mul3A_140, 16 : i32
        %mul3A_141 = arith.constant 16 : i32
        %mul3A_142 = arith.muli %scan3A_138, %mul3A_141 : i32
        %iota3A = tpu.iota {dimensions = array<i32: 0>} : vector<16xi32>
        %add3A_143 = vector.broadcast %mul3A_142 : i32 to vector<16xi32>
        %add3A_144 = arith.addi %add3A_143, %iota3A : vector<16xi32>
        %get3A = arith.constant 0 : i32
        %get3A_145 = arith.index_cast %rem3A_88 : i32 to index
        %get3A_146 = arith.index_cast %get3A : i32 to index
        %get3A_147 = arith.index_cast %multiple_of3A : i32 to index
        %get3A_148 = tpu.vector_load %arg6[%get3A_145, %get3A_146, %get3A_147] {strides = array<i32>} : memref<2x10x512xi32, #tpu.memory_space<vmem>>, vector<16xi32>,
        %get3A_149 = arith.constant 1 : i32
        %get3A_150 = arith.index_cast %rem3A_88 : i32 to index
        %get3A_151 = arith.index_cast %get3A_149 : i32 to index
        %get3A_152 = arith.index_cast %multiple_of3A : i32 to index
        %get3A_153 = tpu.vector_load %arg6[%get3A_150, %get3A_151, %get3A_152] {strides = array<i32>} : memref<2x10x512xi32, #tpu.memory_space<vmem>>, vector<16xi32>,
        %get3A_154 = arith.constant 2 : i32
        %get3A_155 = arith.index_cast %rem3A_88 : i32 to index
        %get3A_156 = arith.index_cast %get3A_154 : i32 to index
        %get3A_157 = arith.index_cast %multiple_of3A : i32 to index
        %get3A_158 = tpu.vector_load %arg6[%get3A_155, %get3A_156, %get3A_157] {strides = array<i32>} : memref<2x10x512xi32, #tpu.memory_space<vmem>>, vector<16xi32>,
        %get3A_159 = arith.constant 3 : i32
        %get3A_160 = arith.index_cast %rem3A_88 : i32 to index
        %get3A_161 = arith.index_cast %get3A_159 : i32 to index
        %get3A_162 = arith.index_cast %multiple_of3A : i32 to index
        %get3A_163 = tpu.vector_load %arg6[%get3A_160, %get3A_161, %get3A_162] {strides = array<i32>} : memref<2x10x512xi32, #tpu.memory_space<vmem>>, vector<16xi32>,
        %get3A_164 = arith.constant 4 : i32
        %get3A_165 = arith.index_cast %rem3A_88 : i32 to index
        %get3A_166 = arith.index_cast %get3A_164 : i32 to index
        %get3A_167 = arith.index_cast %multiple_of3A : i32 to index
        %get3A_168 = tpu.vector_load %arg6[%get3A_165, %get3A_166, %get3A_167] {strides = array<i32>} : memref<2x10x512xi32, #tpu.memory_space<vmem>>, vector<16xi32>,
        %get3A_169 = arith.constant 5 : i32
        %get3A_170 = arith.index_cast %rem3A_88 : i32 to index
        %get3A_171 = arith.index_cast %get3A_169 : i32 to index
        %get3A_172 = arith.index_cast %multiple_of3A : i32 to index
        %get3A_173 = tpu.vector_load %arg6[%get3A_170, %get3A_171, %get3A_172] {strides = array<i32>} : memref<2x10x512xi32, #tpu.memory_space<vmem>>, vector<16xi32>,
        %get3A_174 = arith.constant 6 : i32
        %get3A_175 = arith.index_cast %rem3A_88 : i32 to index
        %get3A_176 = arith.index_cast %get3A_174 : i32 to index
        %get3A_177 = arith.index_cast %multiple_of3A : i32 to index
        %get3A_178 = tpu.vector_load %arg6[%get3A_175, %get3A_176, %get3A_177] {strides = array<i32>} : memref<2x10x512xi32, #tpu.memory_space<vmem>>, vector<16xi32>,
        %get3A_179 = arith.constant 7 : i32
        %get3A_180 = arith.index_cast %rem3A_88 : i32 to index
        %get3A_181 = arith.index_cast %get3A_179 : i32 to index
        %get3A_182 = arith.index_cast %multiple_of3A : i32 to index
        %get3A_183 = tpu.vector_load %arg6[%get3A_180, %get3A_181, %get3A_182] {strides = array<i32>} : memref<2x10x512xi32, #tpu.memory_space<vmem>>, vector<16xi32>,
        %get3A_184 = arith.constant 8 : i32
        %get3A_185 = arith.index_cast %rem3A_88 : i32 to index
        %get3A_186 = arith.index_cast %get3A_184 : i32 to index
        %get3A_187 = arith.index_cast %multiple_of3A : i32 to index
        %get3A_188 = tpu.vector_load %arg6[%get3A_185, %get3A_186, %get3A_187] {strides = array<i32>} : memref<2x10x512xi32, #tpu.memory_space<vmem>>, vector<16xi32>,
        %get3A_189 = arith.constant 9 : i32
        %get3A_190 = arith.index_cast %rem3A_88 : i32 to index
        %get3A_191 = arith.index_cast %get3A_189 : i32 to index
        %get3A_192 = arith.index_cast %multiple_of3A : i32 to index
        %get3A_193 = tpu.vector_load %arg6[%get3A_190, %get3A_191, %get3A_192] {strides = array<i32>} : memref<2x10x512xi32, #tpu.memory_space<vmem>>, vector<16xi32>,
        %broadcast_in_dim3A = arith.constant 0 : i32
        %broadcast_in_dim3A_194 = vector.broadcast %broadcast_in_dim3A : i32 to vector<16xi32>
        %gather3A = tpu.vector_load_idx %arg5[%get3A_148, %broadcast_in_dim3A_194] : memref<5000x16xf32, #tpu.memory_space<vmem>>[vector<16xi32>, vector<16xi32>], vector<16xf32>,
        %gather3A_195 = tpu.vector_load_idx %arg5[%get3A_153, %broadcast_in_dim3A_194] : memref<5000x16xf32, #tpu.memory_space<vmem>>[vector<16xi32>, vector<16xi32>], vector<16xf32>,
        %gather3A_196 = tpu.vector_load_idx %arg5[%get3A_158, %broadcast_in_dim3A_194] : memref<5000x16xf32, #tpu.memory_space<vmem>>[vector<16xi32>, vector<16xi32>], vector<16xf32>,
        %gather3A_197 = tpu.vector_load_idx %arg5[%get3A_163, %broadcast_in_dim3A_194] : memref<5000x16xf32, #tpu.memory_space<vmem>>[vector<16xi32>, vector<16xi32>], vector<16xf32>,
        %gather3A_198 = tpu.vector_load_idx %arg5[%get3A_168, %broadcast_in_dim3A_194] : memref<5000x16xf32, #tpu.memory_space<vmem>>[vector<16xi32>, vector<16xi32>], vector<16xf32>,
        %gather3A_199 = tpu.vector_load_idx %arg5[%get3A_173, %broadcast_in_dim3A_194] : memref<5000x16xf32, #tpu.memory_space<vmem>>[vector<16xi32>, vector<16xi32>], vector<16xf32>,
        %gather3A_200 = tpu.vector_load_idx %arg5[%get3A_178, %broadcast_in_dim3A_194] : memref<5000x16xf32, #tpu.memory_space<vmem>>[vector<16xi32>, vector<16xi32>], vector<16xf32>,
        %gather3A_201 = tpu.vector_load_idx %arg5[%get3A_183, %broadcast_in_dim3A_194] : memref<5000x16xf32, #tpu.memory_space<vmem>>[vector<16xi32>, vector<16xi32>], vector<16xf32>,
        %gather3A_202 = tpu.vector_load_idx %arg5[%get3A_188, %broadcast_in_dim3A_194] : memref<5000x16xf32, #tpu.memory_space<vmem>>[vector<16xi32>, vector<16xi32>], vector<16xf32>,
        %gather3A_203 = tpu.vector_load_idx %arg5[%get3A_193, %broadcast_in_dim3A_194] : memref<5000x16xf32, #tpu.memory_space<vmem>>[vector<16xi32>, vector<16xi32>], vector<16xf32>,
        %add3A_204 = arith.addf %gather3A, %gather3A_195 : vector<16xf32>
        %add3A_205 = arith.addf %gather3A_196, %gather3A_197 : vector<16xf32>
        %add3A_206 = arith.addf %gather3A_198, %gather3A_199 : vector<16xf32>
        %add3A_207 = arith.addf %gather3A_200, %gather3A_201 : vector<16xf32>
        %add3A_208 = arith.addf %gather3A_202, %gather3A_203 : vector<16xf32>
        %add3A_209 = arith.addf %add3A_204, %add3A_205 : vector<16xf32>
        %add3A_210 = arith.addf %add3A_206, %add3A_207 : vector<16xf32>
        %add3A_211 = arith.addf %add3A_209, %add3A_210 : vector<16xf32>
        %add3A_212 = arith.addf %add3A_211, %add3A_208 : vector<16xf32>
        %scatter3A = arith.constant 0 : i32
        %scatter3A_213 = arith.constant 0 : i32
        %scatter3A_214 = tpu.memref_slice %arg7[%rem3A_88, %scatter3A, %scatter3A_213] : memref<2x512x16xf32, #tpu.memory_space<vmem>> -> memref<1x512x16xf32, #tpu.memory_space<vmem>>
        %scatter3A_215 = tpu.memref_squeeze %scatter3A_214 : memref<1x512x16xf32, #tpu.memory_space<vmem>> -> memref<512x16xf32, #tpu.memory_space<vmem>>
        tpu.vector_store_idx %scatter3A_215[%add3A_144, %broadcast_in_dim3A_194], %add3A_212 : memref<512x16xf32, #tpu.memory_space<vmem>>[vector<16xi32>, vector<16xi32>], vector<16xf32>,
        %broadcast_in_dim3A_216 = arith.constant 1 : i32
        %broadcast_in_dim3A_217 = vector.broadcast %broadcast_in_dim3A_216 : i32 to vector<16xi32>
        %gather3A_218 = tpu.vector_load_idx %arg5[%get3A_148, %broadcast_in_dim3A_217] : memref<5000x16xf32, #tpu.memory_space<vmem>>[vector<16xi32>, vector<16xi32>], vector<16xf32>,
        %gather3A_219 = tpu.vector_load_idx %arg5[%get3A_153, %broadcast_in_dim3A_217] : memref<5000x16xf32, #tpu.memory_space<vmem>>[vector<16xi32>, vector<16xi32>], vector<16xf32>,
        %gather3A_220 = tpu.vector_load_idx %arg5[%get3A_158, %broadcast_in_dim3A_217] : memref<5000x16xf32, #tpu.memory_space<vmem>>[vector<16xi32>, vector<16xi32>], vector<16xf32>,
        %gather3A_221 = tpu.vector_load_idx %arg5[%get3A_163, %broadcast_in_dim3A_217] : memref<5000x16xf32, #tpu.memory_space<vmem>>[vector<16xi32>, vector<16xi32>], vector<16xf32>,
        %gather3A_222 = tpu.vector_load_idx %arg5[%get3A_168, %broadcast_in_dim3A_217] : memref<5000x16xf32, #tpu.memory_space<vmem>>[vector<16xi32>, vector<16xi32>], vector<16xf32>,
        %gather3A_223 = tpu.vector_load_idx %arg5[%get3A_173, %broadcast_in_dim3A_217] : memref<5000x16xf32, #tpu.memory_space<vmem>>[vector<16xi32>, vector<16xi32>], vector<16xf32>,
        %gather3A_224 = tpu.vector_load_idx %arg5[%get3A_178, %broadcast_in_dim3A_217] : memref<5000x16xf32, #tpu.memory_space<vmem>>[vector<16xi32>, vector<16xi32>], vector<16xf32>,
        %gather3A_225 = tpu.vector_load_idx %arg5[%get3A_183, %broadcast_in_dim3A_217] : memref<5000x16xf32, #tpu.memory_space<vmem>>[vector<16xi32>, vector<16xi32>], vector<16xf32>,
        %gather3A_226 = tpu.vector_load_idx %arg5[%get3A_188, %broadcast_in_dim3A_217] : memref<5000x16xf32, #tpu.memory_space<vmem>>[vector<16xi32>, vector<16xi32>], vector<16xf32>,
        %gather3A_227 = tpu.vector_load_idx %arg5[%get3A_193, %broadcast_in_dim3A_217] : memref<5000x16xf32, #tpu.memory_space<vmem>>[vector<16xi32>, vector<16xi32>], vector<16xf32>,
        %add3A_228 = arith.addf %gather3A_218, %gather3A_219 : vector<16xf32>
        %add3A_229 = arith.addf %gather3A_220, %gather3A_221 : vector<16xf32>
        %add3A_230 = arith.addf %gather3A_222, %gather3A_223 : vector<16xf32>
        %add3A_231 = arith.addf %gather3A_224, %gather3A_225 : vector<16xf32>
        %add3A_232 = arith.addf %gather3A_226, %gather3A_227 : vector<16xf32>
        %add3A_233 = arith.addf %add3A_228, %add3A_229 : vector<16xf32>
        %add3A_234 = arith.addf %add3A_230, %add3A_231 : vector<16xf32>
        %add3A_235 = arith.addf %add3A_233, %add3A_234 : vector<16xf32>
        %add3A_236 = arith.addf %add3A_235, %add3A_232 : vector<16xf32>
        %scatter3A_237 = arith.constant 0 : i32
        %scatter3A_238 = arith.constant 0 : i32
        %scatter3A_239 = tpu.memref_slice %arg7[%rem3A_88, %scatter3A_237, %scatter3A_238] : memref<2x512x16xf32, #tpu.memory_space<vmem>> -> memref<1x512x16xf32, #tpu.memory_space<vmem>>
        %scatter3A_240 = tpu.memref_squeeze %scatter3A_239 : memref<1x512x16xf32, #tpu.memory_space<vmem>> -> memref<512x16xf32, #tpu.memory_space<vmem>>
        tpu.vector_store_idx %scatter3A_240[%add3A_144, %broadcast_in_dim3A_217], %add3A_236 : memref<512x16xf32, #tpu.memory_space<vmem>>[vector<16xi32>, vector<16xi32>], vector<16xf32>,
        %broadcast_in_dim3A_241 = arith.constant 2 : i32
        %broadcast_in_dim3A_242 = vector.broadcast %broadcast_in_dim3A_241 : i32 to vector<16xi32>
        %gather3A_243 = tpu.vector_load_idx %arg5[%get3A_148, %broadcast_in_dim3A_242] : memref<5000x16xf32, #tpu.memory_space<vmem>>[vector<16xi32>, vector<16xi32>], vector<16xf32>,
        %gather3A_244 = tpu.vector_load_idx %arg5[%get3A_153, %broadcast_in_dim3A_242] : memref<5000x16xf32, #tpu.memory_space<vmem>>[vector<16xi32>, vector<16xi32>], vector<16xf32>,
        %gather3A_245 = tpu.vector_load_idx %arg5[%get3A_158, %broadcast_in_dim3A_242] : memref<5000x16xf32, #tpu.memory_space<vmem>>[vector<16xi32>, vector<16xi32>], vector<16xf32>,
        %gather3A_246 = tpu.vector_load_idx %arg5[%get3A_163, %broadcast_in_dim3A_242] : memref<5000x16xf32, #tpu.memory_space<vmem>>[vector<16xi32>, vector<16xi32>], vector<16xf32>,
        %gather3A_247 = tpu.vector_load_idx %arg5[%get3A_168, %broadcast_in_dim3A_242] : memref<5000x16xf32, #tpu.memory_space<vmem>>[vector<16xi32>, vector<16xi32>], vector<16xf32>,
        %gather3A_248 = tpu.vector_load_idx %arg5[%get3A_173, %broadcast_in_dim3A_242] : memref<5000x16xf32, #tpu.memory_space<vmem>>[vector<16xi32>, vector<16xi32>], vector<16xf32>,
        %gather3A_249 = tpu.vector_load_idx %arg5[%get3A_178, %broadcast_in_dim3A_242] : memref<5000x16xf32, #tpu.memory_space<vmem>>[vector<16xi32>, vector<16xi32>], vector<16xf32>,
        %gather3A_250 = tpu.vector_load_idx %arg5[%get3A_183, %broadcast_in_dim3A_242] : memref<5000x16xf32, #tpu.memory_space<vmem>>[vector<16xi32>, vector<16xi32>], vector<16xf32>,
        %gather3A_251 = tpu.vector_load_idx %arg5[%get3A_188, %broadcast_in_dim3A_242] : memref<5000x16xf32, #tpu.memory_space<vmem>>[vector<16xi32>, vector<16xi32>], vector<16xf32>,
        %gather3A_252 = tpu.vector_load_idx %arg5[%get3A_193, %broadcast_in_dim3A_242] : memref<5000x16xf32, #tpu.memory_space<vmem>>[vector<16xi32>, vector<16xi32>], vector<16xf32>,
        %add3A_253 = arith.addf %gather3A_243, %gather3A_244 : vector<16xf32>
        %add3A_254 = arith.addf %gather3A_245, %gather3A_246 : vector<16xf32>
        %add3A_255 = arith.addf %gather3A_247, %gather3A_248 : vector<16xf32>
        %add3A_256 = arith.addf %gather3A_249, %gather3A_250 : vector<16xf32>
        %add3A_257 = arith.addf %gather3A_251, %gather3A_252 : vector<16xf32>
        %add3A_258 = arith.addf %add3A_253, %add3A_254 : vector<16xf32>
        %add3A_259 = arith.addf %add3A_255, %add3A_256 : vector<16xf32>
        %add3A_260 = arith.addf %add3A_258, %add3A_259 : vector<16xf32>
        %add3A_261 = arith.addf %add3A_260, %add3A_257 : vector<16xf32>
        %scatter3A_262 = arith.constant 0 : i32
        %scatter3A_263 = arith.constant 0 : i32
        %scatter3A_264 = tpu.memref_slice %arg7[%rem3A_88, %scatter3A_262, %scatter3A_263] : memref<2x512x16xf32, #tpu.memory_space<vmem>> -> memref<1x512x16xf32, #tpu.memory_space<vmem>>
        %scatter3A_265 = tpu.memref_squeeze %scatter3A_264 : memref<1x512x16xf32, #tpu.memory_space<vmem>> -> memref<512x16xf32, #tpu.memory_space<vmem>>
        tpu.vector_store_idx %scatter3A_265[%add3A_144, %broadcast_in_dim3A_242], %add3A_261 : memref<512x16xf32, #tpu.memory_space<vmem>>[vector<16xi32>, vector<16xi32>], vector<16xf32>,
        %broadcast_in_dim3A_266 = arith.constant 3 : i32
        %broadcast_in_dim3A_267 = vector.broadcast %broadcast_in_dim3A_266 : i32 to vector<16xi32>
        %gather3A_268 = tpu.vector_load_idx %arg5[%get3A_148, %broadcast_in_dim3A_267] : memref<5000x16xf32, #tpu.memory_space<vmem>>[vector<16xi32>, vector<16xi32>], vector<16xf32>,
        %gather3A_269 = tpu.vector_load_idx %arg5[%get3A_153, %broadcast_in_dim3A_267] : memref<5000x16xf32, #tpu.memory_space<vmem>>[vector<16xi32>, vector<16xi32>], vector<16xf32>,
        %gather3A_270 = tpu.vector_load_idx %arg5[%get3A_158, %broadcast_in_dim3A_267] : memref<5000x16xf32, #tpu.memory_space<vmem>>[vector<16xi32>, vector<16xi32>], vector<16xf32>,
        %gather3A_271 = tpu.vector_load_idx %arg5[%get3A_163, %broadcast_in_dim3A_267] : memref<5000x16xf32, #tpu.memory_space<vmem>>[vector<16xi32>, vector<16xi32>], vector<16xf32>,
        %gather3A_272 = tpu.vector_load_idx %arg5[%get3A_168, %broadcast_in_dim3A_267] : memref<5000x16xf32, #tpu.memory_space<vmem>>[vector<16xi32>, vector<16xi32>], vector<16xf32>,
        %gather3A_273 = tpu.vector_load_idx %arg5[%get3A_173, %broadcast_in_dim3A_267] : memref<5000x16xf32, #tpu.memory_space<vmem>>[vector<16xi32>, vector<16xi32>], vector<16xf32>,
        %gather3A_274 = tpu.vector_load_idx %arg5[%get3A_178, %broadcast_in_dim3A_267] : memref<5000x16xf32, #tpu.memory_space<vmem>>[vector<16xi32>, vector<16xi32>], vector<16xf32>,
        %gather3A_275 = tpu.vector_load_idx %arg5[%get3A_183, %broadcast_in_dim3A_267] : memref<5000x16xf32, #tpu.memory_space<vmem>>[vector<16xi32>, vector<16xi32>], vector<16xf32>,
        %gather3A_276 = tpu.vector_load_idx %arg5[%get3A_188, %broadcast_in_dim3A_267] : memref<5000x16xf32, #tpu.memory_space<vmem>>[vector<16xi32>, vector<16xi32>], vector<16xf32>,
        %gather3A_277 = tpu.vector_load_idx %arg5[%get3A_193, %broadcast_in_dim3A_267] : memref<5000x16xf32, #tpu.memory_space<vmem>>[vector<16xi32>, vector<16xi32>], vector<16xf32>,
        %add3A_278 = arith.addf %gather3A_268, %gather3A_269 : vector<16xf32>
        %add3A_279 = arith.addf %gather3A_270, %gather3A_271 : vector<16xf32>
        %add3A_280 = arith.addf %gather3A_272, %gather3A_273 : vector<16xf32>
        %add3A_281 = arith.addf %gather3A_274, %gather3A_275 : vector<16xf32>
        %add3A_282 = arith.addf %gather3A_276, %gather3A_277 : vector<16xf32>
        %add3A_283 = arith.addf %add3A_278, %add3A_279 : vector<16xf32>
        %add3A_284 = arith.addf %add3A_280, %add3A_281 : vector<16xf32>
        %add3A_285 = arith.addf %add3A_283, %add3A_284 : vector<16xf32>
        %add3A_286 = arith.addf %add3A_285, %add3A_282 : vector<16xf32>
        %scatter3A_287 = arith.constant 0 : i32
        %scatter3A_288 = arith.constant 0 : i32
        %scatter3A_289 = tpu.memref_slice %arg7[%rem3A_88, %scatter3A_287, %scatter3A_288] : memref<2x512x16xf32, #tpu.memory_space<vmem>> -> memref<1x512x16xf32, #tpu.memory_space<vmem>>
        %scatter3A_290 = tpu.memref_squeeze %scatter3A_289 : memref<1x512x16xf32, #tpu.memory_space<vmem>> -> memref<512x16xf32, #tpu.memory_space<vmem>>
        tpu.vector_store_idx %scatter3A_290[%add3A_144, %broadcast_in_dim3A_267], %add3A_286 : memref<512x16xf32, #tpu.memory_space<vmem>>[vector<16xi32>, vector<16xi32>], vector<16xf32>,
        %broadcast_in_dim3A_291 = arith.constant 4 : i32
        %broadcast_in_dim3A_292 = vector.broadcast %broadcast_in_dim3A_291 : i32 to vector<16xi32>
        %gather3A_293 = tpu.vector_load_idx %arg5[%get3A_148, %broadcast_in_dim3A_292] : memref<5000x16xf32, #tpu.memory_space<vmem>>[vector<16xi32>, vector<16xi32>], vector<16xf32>,
        %gather3A_294 = tpu.vector_load_idx %arg5[%get3A_153, %broadcast_in_dim3A_292] : memref<5000x16xf32, #tpu.memory_space<vmem>>[vector<16xi32>, vector<16xi32>], vector<16xf32>,
        %gather3A_295 = tpu.vector_load_idx %arg5[%get3A_158, %broadcast_in_dim3A_292] : memref<5000x16xf32, #tpu.memory_space<vmem>>[vector<16xi32>, vector<16xi32>], vector<16xf32>,
        %gather3A_296 = tpu.vector_load_idx %arg5[%get3A_163, %broadcast_in_dim3A_292] : memref<5000x16xf32, #tpu.memory_space<vmem>>[vector<16xi32>, vector<16xi32>], vector<16xf32>,
        %gather3A_297 = tpu.vector_load_idx %arg5[%get3A_168, %broadcast_in_dim3A_292] : memref<5000x16xf32, #tpu.memory_space<vmem>>[vector<16xi32>, vector<16xi32>], vector<16xf32>,
        %gather3A_298 = tpu.vector_load_idx %arg5[%get3A_173, %broadcast_in_dim3A_292] : memref<5000x16xf32, #tpu.memory_space<vmem>>[vector<16xi32>, vector<16xi32>], vector<16xf32>,
        %gather3A_299 = tpu.vector_load_idx %arg5[%get3A_178, %broadcast_in_dim3A_292] : memref<5000x16xf32, #tpu.memory_space<vmem>>[vector<16xi32>, vector<16xi32>], vector<16xf32>,
        %gather3A_300 = tpu.vector_load_idx %arg5[%get3A_183, %broadcast_in_dim3A_292] : memref<5000x16xf32, #tpu.memory_space<vmem>>[vector<16xi32>, vector<16xi32>], vector<16xf32>,
        %gather3A_301 = tpu.vector_load_idx %arg5[%get3A_188, %broadcast_in_dim3A_292] : memref<5000x16xf32, #tpu.memory_space<vmem>>[vector<16xi32>, vector<16xi32>], vector<16xf32>,
        %gather3A_302 = tpu.vector_load_idx %arg5[%get3A_193, %broadcast_in_dim3A_292] : memref<5000x16xf32, #tpu.memory_space<vmem>>[vector<16xi32>, vector<16xi32>], vector<16xf32>,
        %add3A_303 = arith.addf %gather3A_293, %gather3A_294 : vector<16xf32>
        %add3A_304 = arith.addf %gather3A_295, %gather3A_296 : vector<16xf32>
        %add3A_305 = arith.addf %gather3A_297, %gather3A_298 : vector<16xf32>
        %add3A_306 = arith.addf %gather3A_299, %gather3A_300 : vector<16xf32>
        %add3A_307 = arith.addf %gather3A_301, %gather3A_302 : vector<16xf32>
        %add3A_308 = arith.addf %add3A_303, %add3A_304 : vector<16xf32>
        %add3A_309 = arith.addf %add3A_305, %add3A_306 : vector<16xf32>
        %add3A_310 = arith.addf %add3A_308, %add3A_309 : vector<16xf32>
        %add3A_311 = arith.addf %add3A_310, %add3A_307 : vector<16xf32>
        %scatter3A_312 = arith.constant 0 : i32
        %scatter3A_313 = arith.constant 0 : i32
        %scatter3A_314 = tpu.memref_slice %arg7[%rem3A_88, %scatter3A_312, %scatter3A_313] : memref<2x512x16xf32, #tpu.memory_space<vmem>> -> memref<1x512x16xf32, #tpu.memory_space<vmem>>
        %scatter3A_315 = tpu.memref_squeeze %scatter3A_314 : memref<1x512x16xf32, #tpu.memory_space<vmem>> -> memref<512x16xf32, #tpu.memory_space<vmem>>
        tpu.vector_store_idx %scatter3A_315[%add3A_144, %broadcast_in_dim3A_292], %add3A_311 : memref<512x16xf32, #tpu.memory_space<vmem>>[vector<16xi32>, vector<16xi32>], vector<16xf32>,
        %broadcast_in_dim3A_316 = arith.constant 5 : i32
        %broadcast_in_dim3A_317 = vector.broadcast %broadcast_in_dim3A_316 : i32 to vector<16xi32>
        %gather3A_318 = tpu.vector_load_idx %arg5[%get3A_148, %broadcast_in_dim3A_317] : memref<5000x16xf32, #tpu.memory_space<vmem>>[vector<16xi32>, vector<16xi32>], vector<16xf32>,
        %gather3A_319 = tpu.vector_load_idx %arg5[%get3A_153, %broadcast_in_dim3A_317] : memref<5000x16xf32, #tpu.memory_space<vmem>>[vector<16xi32>, vector<16xi32>], vector<16xf32>,
        %gather3A_320 = tpu.vector_load_idx %arg5[%get3A_158, %broadcast_in_dim3A_317] : memref<5000x16xf32, #tpu.memory_space<vmem>>[vector<16xi32>, vector<16xi32>], vector<16xf32>,
        %gather3A_321 = tpu.vector_load_idx %arg5[%get3A_163, %broadcast_in_dim3A_317] : memref<5000x16xf32, #tpu.memory_space<vmem>>[vector<16xi32>, vector<16xi32>], vector<16xf32>,
        %gather3A_322 = tpu.vector_load_idx %arg5[%get3A_168, %broadcast_in_dim3A_317] : memref<5000x16xf32, #tpu.memory_space<vmem>>[vector<16xi32>, vector<16xi32>], vector<16xf32>,
        %gather3A_323 = tpu.vector_load_idx %arg5[%get3A_173, %broadcast_in_dim3A_317] : memref<5000x16xf32, #tpu.memory_space<vmem>>[vector<16xi32>, vector<16xi32>], vector<16xf32>,
        %gather3A_324 = tpu.vector_load_idx %arg5[%get3A_178, %broadcast_in_dim3A_317] : memref<5000x16xf32, #tpu.memory_space<vmem>>[vector<16xi32>, vector<16xi32>], vector<16xf32>,
        %gather3A_325 = tpu.vector_load_idx %arg5[%get3A_183, %broadcast_in_dim3A_317] : memref<5000x16xf32, #tpu.memory_space<vmem>>[vector<16xi32>, vector<16xi32>], vector<16xf32>,
        %gather3A_326 = tpu.vector_load_idx %arg5[%get3A_188, %broadcast_in_dim3A_317] : memref<5000x16xf32, #tpu.memory_space<vmem>>[vector<16xi32>, vector<16xi32>], vector<16xf32>,
        %gather3A_327 = tpu.vector_load_idx %arg5[%get3A_193, %broadcast_in_dim3A_317] : memref<5000x16xf32, #tpu.memory_space<vmem>>[vector<16xi32>, vector<16xi32>], vector<16xf32>,
        %add3A_328 = arith.addf %gather3A_318, %gather3A_319 : vector<16xf32>
        %add3A_329 = arith.addf %gather3A_320, %gather3A_321 : vector<16xf32>
        %add3A_330 = arith.addf %gather3A_322, %gather3A_323 : vector<16xf32>
        %add3A_331 = arith.addf %gather3A_324, %gather3A_325 : vector<16xf32>
        %add3A_332 = arith.addf %gather3A_326, %gather3A_327 : vector<16xf32>
        %add3A_333 = arith.addf %add3A_328, %add3A_329 : vector<16xf32>
        %add3A_334 = arith.addf %add3A_330, %add3A_331 : vector<16xf32>
        %add3A_335 = arith.addf %add3A_333, %add3A_334 : vector<16xf32>
        %add3A_336 = arith.addf %add3A_335, %add3A_332 : vector<16xf32>
        %scatter3A_337 = arith.constant 0 : i32
        %scatter3A_338 = arith.constant 0 : i32
        %scatter3A_339 = tpu.memref_slice %arg7[%rem3A_88, %scatter3A_337, %scatter3A_338] : memref<2x512x16xf32, #tpu.memory_space<vmem>> -> memref<1x512x16xf32, #tpu.memory_space<vmem>>
        %scatter3A_340 = tpu.memref_squeeze %scatter3A_339 : memref<1x512x16xf32, #tpu.memory_space<vmem>> -> memref<512x16xf32, #tpu.memory_space<vmem>>
        tpu.vector_store_idx %scatter3A_340[%add3A_144, %broadcast_in_dim3A_317], %add3A_336 : memref<512x16xf32, #tpu.memory_space<vmem>>[vector<16xi32>, vector<16xi32>], vector<16xf32>,
        %broadcast_in_dim3A_341 = arith.constant 6 : i32
        %broadcast_in_dim3A_342 = vector.broadcast %broadcast_in_dim3A_341 : i32 to vector<16xi32>
        %gather3A_343 = tpu.vector_load_idx %arg5[%get3A_148, %broadcast_in_dim3A_342] : memref<5000x16xf32, #tpu.memory_space<vmem>>[vector<16xi32>, vector<16xi32>], vector<16xf32>,
        %gather3A_344 = tpu.vector_load_idx %arg5[%get3A_153, %broadcast_in_dim3A_342] : memref<5000x16xf32, #tpu.memory_space<vmem>>[vector<16xi32>, vector<16xi32>], vector<16xf32>,
        %gather3A_345 = tpu.vector_load_idx %arg5[%get3A_158, %broadcast_in_dim3A_342] : memref<5000x16xf32, #tpu.memory_space<vmem>>[vector<16xi32>, vector<16xi32>], vector<16xf32>,
        %gather3A_346 = tpu.vector_load_idx %arg5[%get3A_163, %broadcast_in_dim3A_342] : memref<5000x16xf32, #tpu.memory_space<vmem>>[vector<16xi32>, vector<16xi32>], vector<16xf32>,
        %gather3A_347 = tpu.vector_load_idx %arg5[%get3A_168, %broadcast_in_dim3A_342] : memref<5000x16xf32, #tpu.memory_space<vmem>>[vector<16xi32>, vector<16xi32>], vector<16xf32>,
        %gather3A_348 = tpu.vector_load_idx %arg5[%get3A_173, %broadcast_in_dim3A_342] : memref<5000x16xf32, #tpu.memory_space<vmem>>[vector<16xi32>, vector<16xi32>], vector<16xf32>,
        %gather3A_349 = tpu.vector_load_idx %arg5[%get3A_178, %broadcast_in_dim3A_342] : memref<5000x16xf32, #tpu.memory_space<vmem>>[vector<16xi32>, vector<16xi32>], vector<16xf32>,
        %gather3A_350 = tpu.vector_load_idx %arg5[%get3A_183, %broadcast_in_dim3A_342] : memref<5000x16xf32, #tpu.memory_space<vmem>>[vector<16xi32>, vector<16xi32>], vector<16xf32>,
        %gather3A_351 = tpu.vector_load_idx %arg5[%get3A_188, %broadcast_in_dim3A_342] : memref<5000x16xf32, #tpu.memory_space<vmem>>[vector<16xi32>, vector<16xi32>], vector<16xf32>,
        %gather3A_352 = tpu.vector_load_idx %arg5[%get3A_193, %broadcast_in_dim3A_342] : memref<5000x16xf32, #tpu.memory_space<vmem>>[vector<16xi32>, vector<16xi32>], vector<16xf32>,
        %add3A_353 = arith.addf %gather3A_343, %gather3A_344 : vector<16xf32>
        %add3A_354 = arith.addf %gather3A_345, %gather3A_346 : vector<16xf32>
        %add3A_355 = arith.addf %gather3A_347, %gather3A_348 : vector<16xf32>
        %add3A_356 = arith.addf %gather3A_349, %gather3A_350 : vector<16xf32>
        %add3A_357 = arith.addf %gather3A_351, %gather3A_352 : vector<16xf32>
        %add3A_358 = arith.addf %add3A_353, %add3A_354 : vector<16xf32>
        %add3A_359 = arith.addf %add3A_355, %add3A_356 : vector<16xf32>
        %add3A_360 = arith.addf %add3A_358, %add3A_359 : vector<16xf32>
        %add3A_361 = arith.addf %add3A_360, %add3A_357 : vector<16xf32>
        %scatter3A_362 = arith.constant 0 : i32
        %scatter3A_363 = arith.constant 0 : i32
        %scatter3A_364 = tpu.memref_slice %arg7[%rem3A_88, %scatter3A_362, %scatter3A_363] : memref<2x512x16xf32, #tpu.memory_space<vmem>> -> memref<1x512x16xf32, #tpu.memory_space<vmem>>
        %scatter3A_365 = tpu.memref_squeeze %scatter3A_364 : memref<1x512x16xf32, #tpu.memory_space<vmem>> -> memref<512x16xf32, #tpu.memory_space<vmem>>
        tpu.vector_store_idx %scatter3A_365[%add3A_144, %broadcast_in_dim3A_342], %add3A_361 : memref<512x16xf32, #tpu.memory_space<vmem>>[vector<16xi32>, vector<16xi32>], vector<16xf32>,
        %broadcast_in_dim3A_366 = arith.constant 7 : i32
        %broadcast_in_dim3A_367 = vector.broadcast %broadcast_in_dim3A_366 : i32 to vector<16xi32>
        %gather3A_368 = tpu.vector_load_idx %arg5[%get3A_148, %broadcast_in_dim3A_367] : memref<5000x16xf32, #tpu.memory_space<vmem>>[vector<16xi32>, vector<16xi32>], vector<16xf32>,
        %gather3A_369 = tpu.vector_load_idx %arg5[%get3A_153, %broadcast_in_dim3A_367] : memref<5000x16xf32, #tpu.memory_space<vmem>>[vector<16xi32>, vector<16xi32>], vector<16xf32>,
        %gather3A_370 = tpu.vector_load_idx %arg5[%get3A_158, %broadcast_in_dim3A_367] : memref<5000x16xf32, #tpu.memory_space<vmem>>[vector<16xi32>, vector<16xi32>], vector<16xf32>,
        %gather3A_371 = tpu.vector_load_idx %arg5[%get3A_163, %broadcast_in_dim3A_367] : memref<5000x16xf32, #tpu.memory_space<vmem>>[vector<16xi32>, vector<16xi32>], vector<16xf32>,
        %gather3A_372 = tpu.vector_load_idx %arg5[%get3A_168, %broadcast_in_dim3A_367] : memref<5000x16xf32, #tpu.memory_space<vmem>>[vector<16xi32>, vector<16xi32>], vector<16xf32>,
        %gather3A_373 = tpu.vector_load_idx %arg5[%get3A_173, %broadcast_in_dim3A_367] : memref<5000x16xf32, #tpu.memory_space<vmem>>[vector<16xi32>, vector<16xi32>], vector<16xf32>,
        %gather3A_374 = tpu.vector_load_idx %arg5[%get3A_178, %broadcast_in_dim3A_367] : memref<5000x16xf32, #tpu.memory_space<vmem>>[vector<16xi32>, vector<16xi32>], vector<16xf32>,
        %gather3A_375 = tpu.vector_load_idx %arg5[%get3A_183, %broadcast_in_dim3A_367] : memref<5000x16xf32, #tpu.memory_space<vmem>>[vector<16xi32>, vector<16xi32>], vector<16xf32>,
        %gather3A_376 = tpu.vector_load_idx %arg5[%get3A_188, %broadcast_in_dim3A_367] : memref<5000x16xf32, #tpu.memory_space<vmem>>[vector<16xi32>, vector<16xi32>], vector<16xf32>,
        %gather3A_377 = tpu.vector_load_idx %arg5[%get3A_193, %broadcast_in_dim3A_367] : memref<5000x16xf32, #tpu.memory_space<vmem>>[vector<16xi32>, vector<16xi32>], vector<16xf32>,
        %add3A_378 = arith.addf %gather3A_368, %gather3A_369 : vector<16xf32>
        %add3A_379 = arith.addf %gather3A_370, %gather3A_371 : vector<16xf32>
        %add3A_380 = arith.addf %gather3A_372, %gather3A_373 : vector<16xf32>
        %add3A_381 = arith.addf %gather3A_374, %gather3A_375 : vector<16xf32>
        %add3A_382 = arith.addf %gather3A_376, %gather3A_377 : vector<16xf32>
        %add3A_383 = arith.addf %add3A_378, %add3A_379 : vector<16xf32>
        %add3A_384 = arith.addf %add3A_380, %add3A_381 : vector<16xf32>
        %add3A_385 = arith.addf %add3A_383, %add3A_384 : vector<16xf32>
        %add3A_386 = arith.addf %add3A_385, %add3A_382 : vector<16xf32>
        %scatter3A_387 = arith.constant 0 : i32
        %scatter3A_388 = arith.constant 0 : i32
        %scatter3A_389 = tpu.memref_slice %arg7[%rem3A_88, %scatter3A_387, %scatter3A_388] : memref<2x512x16xf32, #tpu.memory_space<vmem>> -> memref<1x512x16xf32, #tpu.memory_space<vmem>>
        %scatter3A_390 = tpu.memref_squeeze %scatter3A_389 : memref<1x512x16xf32, #tpu.memory_space<vmem>> -> memref<512x16xf32, #tpu.memory_space<vmem>>
        tpu.vector_store_idx %scatter3A_390[%add3A_144, %broadcast_in_dim3A_367], %add3A_386 : memref<512x16xf32, #tpu.memory_space<vmem>>[vector<16xi32>, vector<16xi32>], vector<16xf32>,
        %broadcast_in_dim3A_391 = arith.constant 8 : i32
        %broadcast_in_dim3A_392 = vector.broadcast %broadcast_in_dim3A_391 : i32 to vector<16xi32>
        %gather3A_393 = tpu.vector_load_idx %arg5[%get3A_148, %broadcast_in_dim3A_392] : memref<5000x16xf32, #tpu.memory_space<vmem>>[vector<16xi32>, vector<16xi32>], vector<16xf32>,
        %gather3A_394 = tpu.vector_load_idx %arg5[%get3A_153, %broadcast_in_dim3A_392] : memref<5000x16xf32, #tpu.memory_space<vmem>>[vector<16xi32>, vector<16xi32>], vector<16xf32>,
        %gather3A_395 = tpu.vector_load_idx %arg5[%get3A_158, %broadcast_in_dim3A_392] : memref<5000x16xf32, #tpu.memory_space<vmem>>[vector<16xi32>, vector<16xi32>], vector<16xf32>,
        %gather3A_396 = tpu.vector_load_idx %arg5[%get3A_163, %broadcast_in_dim3A_392] : memref<5000x16xf32, #tpu.memory_space<vmem>>[vector<16xi32>, vector<16xi32>], vector<16xf32>,
        %gather3A_397 = tpu.vector_load_idx %arg5[%get3A_168, %broadcast_in_dim3A_392] : memref<5000x16xf32, #tpu.memory_space<vmem>>[vector<16xi32>, vector<16xi32>], vector<16xf32>,
        %gather3A_398 = tpu.vector_load_idx %arg5[%get3A_173, %broadcast_in_dim3A_392] : memref<5000x16xf32, #tpu.memory_space<vmem>>[vector<16xi32>, vector<16xi32>], vector<16xf32>,
        %gather3A_399 = tpu.vector_load_idx %arg5[%get3A_178, %broadcast_in_dim3A_392] : memref<5000x16xf32, #tpu.memory_space<vmem>>[vector<16xi32>, vector<16xi32>], vector<16xf32>,
        %gather3A_400 = tpu.vector_load_idx %arg5[%get3A_183, %broadcast_in_dim3A_392] : memref<5000x16xf32, #tpu.memory_space<vmem>>[vector<16xi32>, vector<16xi32>], vector<16xf32>,
        %gather3A_401 = tpu.vector_load_idx %arg5[%get3A_188, %broadcast_in_dim3A_392] : memref<5000x16xf32, #tpu.memory_space<vmem>>[vector<16xi32>, vector<16xi32>], vector<16xf32>,
        %gather3A_402 = tpu.vector_load_idx %arg5[%get3A_193, %broadcast_in_dim3A_392] : memref<5000x16xf32, #tpu.memory_space<vmem>>[vector<16xi32>, vector<16xi32>], vector<16xf32>,
        %add3A_403 = arith.addf %gather3A_393, %gather3A_394 : vector<16xf32>
        %add3A_404 = arith.addf %gather3A_395, %gather3A_396 : vector<16xf32>
        %add3A_405 = arith.addf %gather3A_397, %gather3A_398 : vector<16xf32>
        %add3A_406 = arith.addf %gather3A_399, %gather3A_400 : vector<16xf32>
        %add3A_407 = arith.addf %gather3A_401, %gather3A_402 : vector<16xf32>
        %add3A_408 = arith.addf %add3A_403, %add3A_404 : vector<16xf32>
        %add3A_409 = arith.addf %add3A_405, %add3A_406 : vector<16xf32>
        %add3A_410 = arith.addf %add3A_408, %add3A_409 : vector<16xf32>
        %add3A_411 = arith.addf %add3A_410, %add3A_407 : vector<16xf32>
        %scatter3A_412 = arith.constant 0 : i32
        %scatter3A_413 = arith.constant 0 : i32
        %scatter3A_414 = tpu.memref_slice %arg7[%rem3A_88, %scatter3A_412, %scatter3A_413] : memref<2x512x16xf32, #tpu.memory_space<vmem>> -> memref<1x512x16xf32, #tpu.memory_space<vmem>>
        %scatter3A_415 = tpu.memref_squeeze %scatter3A_414 : memref<1x512x16xf32, #tpu.memory_space<vmem>> -> memref<512x16xf32, #tpu.memory_space<vmem>>
        tpu.vector_store_idx %scatter3A_415[%add3A_144, %broadcast_in_dim3A_392], %add3A_411 : memref<512x16xf32, #tpu.memory_space<vmem>>[vector<16xi32>, vector<16xi32>], vector<16xf32>,
        %broadcast_in_dim3A_416 = arith.constant 9 : i32
        %broadcast_in_dim3A_417 = vector.broadcast %broadcast_in_dim3A_416 : i32 to vector<16xi32>
        %gather3A_418 = tpu.vector_load_idx %arg5[%get3A_148, %broadcast_in_dim3A_417] : memref<5000x16xf32, #tpu.memory_space<vmem>>[vector<16xi32>, vector<16xi32>], vector<16xf32>,
        %gather3A_419 = tpu.vector_load_idx %arg5[%get3A_153, %broadcast_in_dim3A_417] : memref<5000x16xf32, #tpu.memory_space<vmem>>[vector<16xi32>, vector<16xi32>], vector<16xf32>,
        %gather3A_420 = tpu.vector_load_idx %arg5[%get3A_158, %broadcast_in_dim3A_417] : memref<5000x16xf32, #tpu.memory_space<vmem>>[vector<16xi32>, vector<16xi32>], vector<16xf32>,
        %gather3A_421 = tpu.vector_load_idx %arg5[%get3A_163, %broadcast_in_dim3A_417] : memref<5000x16xf32, #tpu.memory_space<vmem>>[vector<16xi32>, vector<16xi32>], vector<16xf32>,
        %gather3A_422 = tpu.vector_load_idx %arg5[%get3A_168, %broadcast_in_dim3A_417] : memref<5000x16xf32, #tpu.memory_space<vmem>>[vector<16xi32>, vector<16xi32>], vector<16xf32>,
        %gather3A_423 = tpu.vector_load_idx %arg5[%get3A_173, %broadcast_in_dim3A_417] : memref<5000x16xf32, #tpu.memory_space<vmem>>[vector<16xi32>, vector<16xi32>], vector<16xf32>,
        %gather3A_424 = tpu.vector_load_idx %arg5[%get3A_178, %broadcast_in_dim3A_417] : memref<5000x16xf32, #tpu.memory_space<vmem>>[vector<16xi32>, vector<16xi32>], vector<16xf32>,
        %gather3A_425 = tpu.vector_load_idx %arg5[%get3A_183, %broadcast_in_dim3A_417] : memref<5000x16xf32, #tpu.memory_space<vmem>>[vector<16xi32>, vector<16xi32>], vector<16xf32>,
        %gather3A_426 = tpu.vector_load_idx %arg5[%get3A_188, %broadcast_in_dim3A_417] : memref<5000x16xf32, #tpu.memory_space<vmem>>[vector<16xi32>, vector<16xi32>], vector<16xf32>,
        %gather3A_427 = tpu.vector_load_idx %arg5[%get3A_193, %broadcast_in_dim3A_417] : memref<5000x16xf32, #tpu.memory_space<vmem>>[vector<16xi32>, vector<16xi32>], vector<16xf32>,
        %add3A_428 = arith.addf %gather3A_418, %gather3A_419 : vector<16xf32>
        %add3A_429 = arith.addf %gather3A_420, %gather3A_421 : vector<16xf32>
        %add3A_430 = arith.addf %gather3A_422, %gather3A_423 : vector<16xf32>
        %add3A_431 = arith.addf %gather3A_424, %gather3A_425 : vector<16xf32>
        %add3A_432 = arith.addf %gather3A_426, %gather3A_427 : vector<16xf32>
        %add3A_433 = arith.addf %add3A_428, %add3A_429 : vector<16xf32>
        %add3A_434 = arith.addf %add3A_430, %add3A_431 : vector<16xf32>
        %add3A_435 = arith.addf %add3A_433, %add3A_434 : vector<16xf32>
        %add3A_436 = arith.addf %add3A_435, %add3A_432 : vector<16xf32>
        %scatter3A_437 = arith.constant 0 : i32
        %scatter3A_438 = arith.constant 0 : i32
        %scatter3A_439 = tpu.memref_slice %arg7[%rem3A_88, %scatter3A_437, %scatter3A_438] : memref<2x512x16xf32, #tpu.memory_space<vmem>> -> memref<1x512x16xf32, #tpu.memory_space<vmem>>
        %scatter3A_440 = tpu.memref_squeeze %scatter3A_439 : memref<1x512x16xf32, #tpu.memory_space<vmem>> -> memref<512x16xf32, #tpu.memory_space<vmem>>
        tpu.vector_store_idx %scatter3A_440[%add3A_144, %broadcast_in_dim3A_417], %add3A_436 : memref<512x16xf32, #tpu.memory_space<vmem>>[vector<16xi32>, vector<16xi32>], vector<16xf32>,
        %broadcast_in_dim3A_441 = arith.constant 10 : i32
        %broadcast_in_dim3A_442 = vector.broadcast %broadcast_in_dim3A_441 : i32 to vector<16xi32>
        %gather3A_443 = tpu.vector_load_idx %arg5[%get3A_148, %broadcast_in_dim3A_442] : memref<5000x16xf32, #tpu.memory_space<vmem>>[vector<16xi32>, vector<16xi32>], vector<16xf32>,
        %gather3A_444 = tpu.vector_load_idx %arg5[%get3A_153, %broadcast_in_dim3A_442] : memref<5000x16xf32, #tpu.memory_space<vmem>>[vector<16xi32>, vector<16xi32>], vector<16xf32>,
        %gather3A_445 = tpu.vector_load_idx %arg5[%get3A_158, %broadcast_in_dim3A_442] : memref<5000x16xf32, #tpu.memory_space<vmem>>[vector<16xi32>, vector<16xi32>], vector<16xf32>,
        %gather3A_446 = tpu.vector_load_idx %arg5[%get3A_163, %broadcast_in_dim3A_442] : memref<5000x16xf32, #tpu.memory_space<vmem>>[vector<16xi32>, vector<16xi32>], vector<16xf32>,
        %gather3A_447 = tpu.vector_load_idx %arg5[%get3A_168, %broadcast_in_dim3A_442] : memref<5000x16xf32, #tpu.memory_space<vmem>>[vector<16xi32>, vector<16xi32>], vector<16xf32>,
        %gather3A_448 = tpu.vector_load_idx %arg5[%get3A_173, %broadcast_in_dim3A_442] : memref<5000x16xf32, #tpu.memory_space<vmem>>[vector<16xi32>, vector<16xi32>], vector<16xf32>,
        %gather3A_449 = tpu.vector_load_idx %arg5[%get3A_178, %broadcast_in_dim3A_442] : memref<5000x16xf32, #tpu.memory_space<vmem>>[vector<16xi32>, vector<16xi32>], vector<16xf32>,
        %gather3A_450 = tpu.vector_load_idx %arg5[%get3A_183, %broadcast_in_dim3A_442] : memref<5000x16xf32, #tpu.memory_space<vmem>>[vector<16xi32>, vector<16xi32>], vector<16xf32>,
        %gather3A_451 = tpu.vector_load_idx %arg5[%get3A_188, %broadcast_in_dim3A_442] : memref<5000x16xf32, #tpu.memory_space<vmem>>[vector<16xi32>, vector<16xi32>], vector<16xf32>,
        %gather3A_452 = tpu.vector_load_idx %arg5[%get3A_193, %broadcast_in_dim3A_442] : memref<5000x16xf32, #tpu.memory_space<vmem>>[vector<16xi32>, vector<16xi32>], vector<16xf32>,
        %add3A_453 = arith.addf %gather3A_443, %gather3A_444 : vector<16xf32>
        %add3A_454 = arith.addf %gather3A_445, %gather3A_446 : vector<16xf32>
        %add3A_455 = arith.addf %gather3A_447, %gather3A_448 : vector<16xf32>
        %add3A_456 = arith.addf %gather3A_449, %gather3A_450 : vector<16xf32>
        %add3A_457 = arith.addf %gather3A_451, %gather3A_452 : vector<16xf32>
        %add3A_458 = arith.addf %add3A_453, %add3A_454 : vector<16xf32>
        %add3A_459 = arith.addf %add3A_455, %add3A_456 : vector<16xf32>
        %add3A_460 = arith.addf %add3A_458, %add3A_459 : vector<16xf32>
        %add3A_461 = arith.addf %add3A_460, %add3A_457 : vector<16xf32>
        %scatter3A_462 = arith.constant 0 : i32
        %scatter3A_463 = arith.constant 0 : i32
        %scatter3A_464 = tpu.memref_slice %arg7[%rem3A_88, %scatter3A_462, %scatter3A_463] : memref<2x512x16xf32, #tpu.memory_space<vmem>> -> memref<1x512x16xf32, #tpu.memory_space<vmem>>
        %scatter3A_465 = tpu.memref_squeeze %scatter3A_464 : memref<1x512x16xf32, #tpu.memory_space<vmem>> -> memref<512x16xf32, #tpu.memory_space<vmem>>
        tpu.vector_store_idx %scatter3A_465[%add3A_144, %broadcast_in_dim3A_442], %add3A_461 : memref<512x16xf32, #tpu.memory_space<vmem>>[vector<16xi32>, vector<16xi32>], vector<16xf32>,
        %broadcast_in_dim3A_466 = arith.constant 11 : i32
        %broadcast_in_dim3A_467 = vector.broadcast %broadcast_in_dim3A_466 : i32 to vector<16xi32>
        %gather3A_468 = tpu.vector_load_idx %arg5[%get3A_148, %broadcast_in_dim3A_467] : memref<5000x16xf32, #tpu.memory_space<vmem>>[vector<16xi32>, vector<16xi32>], vector<16xf32>,
        %gather3A_469 = tpu.vector_load_idx %arg5[%get3A_153, %broadcast_in_dim3A_467] : memref<5000x16xf32, #tpu.memory_space<vmem>>[vector<16xi32>, vector<16xi32>], vector<16xf32>,
        %gather3A_470 = tpu.vector_load_idx %arg5[%get3A_158, %broadcast_in_dim3A_467] : memref<5000x16xf32, #tpu.memory_space<vmem>>[vector<16xi32>, vector<16xi32>], vector<16xf32>,
        %gather3A_471 = tpu.vector_load_idx %arg5[%get3A_163, %broadcast_in_dim3A_467] : memref<5000x16xf32, #tpu.memory_space<vmem>>[vector<16xi32>, vector<16xi32>], vector<16xf32>,
        %gather3A_472 = tpu.vector_load_idx %arg5[%get3A_168, %broadcast_in_dim3A_467] : memref<5000x16xf32, #tpu.memory_space<vmem>>[vector<16xi32>, vector<16xi32>], vector<16xf32>,
        %gather3A_473 = tpu.vector_load_idx %arg5[%get3A_173, %broadcast_in_dim3A_467] : memref<5000x16xf32, #tpu.memory_space<vmem>>[vector<16xi32>, vector<16xi32>], vector<16xf32>,
        %gather3A_474 = tpu.vector_load_idx %arg5[%get3A_178, %broadcast_in_dim3A_467] : memref<5000x16xf32, #tpu.memory_space<vmem>>[vector<16xi32>, vector<16xi32>], vector<16xf32>,
        %gather3A_475 = tpu.vector_load_idx %arg5[%get3A_183, %broadcast_in_dim3A_467] : memref<5000x16xf32, #tpu.memory_space<vmem>>[vector<16xi32>, vector<16xi32>], vector<16xf32>,
        %gather3A_476 = tpu.vector_load_idx %arg5[%get3A_188, %broadcast_in_dim3A_467] : memref<5000x16xf32, #tpu.memory_space<vmem>>[vector<16xi32>, vector<16xi32>], vector<16xf32>,
        %gather3A_477 = tpu.vector_load_idx %arg5[%get3A_193, %broadcast_in_dim3A_467] : memref<5000x16xf32, #tpu.memory_space<vmem>>[vector<16xi32>, vector<16xi32>], vector<16xf32>,
        %add3A_478 = arith.addf %gather3A_468, %gather3A_469 : vector<16xf32>
        %add3A_479 = arith.addf %gather3A_470, %gather3A_471 : vector<16xf32>
        %add3A_480 = arith.addf %gather3A_472, %gather3A_473 : vector<16xf32>
        %add3A_481 = arith.addf %gather3A_474, %gather3A_475 : vector<16xf32>
        %add3A_482 = arith.addf %gather3A_476, %gather3A_477 : vector<16xf32>
        %add3A_483 = arith.addf %add3A_478, %add3A_479 : vector<16xf32>
        %add3A_484 = arith.addf %add3A_480, %add3A_481 : vector<16xf32>
        %add3A_485 = arith.addf %add3A_483, %add3A_484 : vector<16xf32>
        %add3A_486 = arith.addf %add3A_485, %add3A_482 : vector<16xf32>
        %scatter3A_487 = arith.constant 0 : i32
        %scatter3A_488 = arith.constant 0 : i32
        %scatter3A_489 = tpu.memref_slice %arg7[%rem3A_88, %scatter3A_487, %scatter3A_488] : memref<2x512x16xf32, #tpu.memory_space<vmem>> -> memref<1x512x16xf32, #tpu.memory_space<vmem>>
        %scatter3A_490 = tpu.memref_squeeze %scatter3A_489 : memref<1x512x16xf32, #tpu.memory_space<vmem>> -> memref<512x16xf32, #tpu.memory_space<vmem>>
        tpu.vector_store_idx %scatter3A_490[%add3A_144, %broadcast_in_dim3A_467], %add3A_486 : memref<512x16xf32, #tpu.memory_space<vmem>>[vector<16xi32>, vector<16xi32>], vector<16xf32>,
        %broadcast_in_dim3A_491 = arith.constant 12 : i32
        %broadcast_in_dim3A_492 = vector.broadcast %broadcast_in_dim3A_491 : i32 to vector<16xi32>
        %gather3A_493 = tpu.vector_load_idx %arg5[%get3A_148, %broadcast_in_dim3A_492] : memref<5000x16xf32, #tpu.memory_space<vmem>>[vector<16xi32>, vector<16xi32>], vector<16xf32>,
        %gather3A_494 = tpu.vector_load_idx %arg5[%get3A_153, %broadcast_in_dim3A_492] : memref<5000x16xf32, #tpu.memory_space<vmem>>[vector<16xi32>, vector<16xi32>], vector<16xf32>,
        %gather3A_495 = tpu.vector_load_idx %arg5[%get3A_158, %broadcast_in_dim3A_492] : memref<5000x16xf32, #tpu.memory_space<vmem>>[vector<16xi32>, vector<16xi32>], vector<16xf32>,
        %gather3A_496 = tpu.vector_load_idx %arg5[%get3A_163, %broadcast_in_dim3A_492] : memref<5000x16xf32, #tpu.memory_space<vmem>>[vector<16xi32>, vector<16xi32>], vector<16xf32>,
        %gather3A_497 = tpu.vector_load_idx %arg5[%get3A_168, %broadcast_in_dim3A_492] : memref<5000x16xf32, #tpu.memory_space<vmem>>[vector<16xi32>, vector<16xi32>], vector<16xf32>,
        %gather3A_498 = tpu.vector_load_idx %arg5[%get3A_173, %broadcast_in_dim3A_492] : memref<5000x16xf32, #tpu.memory_space<vmem>>[vector<16xi32>, vector<16xi32>], vector<16xf32>,
        %gather3A_499 = tpu.vector_load_idx %arg5[%get3A_178, %broadcast_in_dim3A_492] : memref<5000x16xf32, #tpu.memory_space<vmem>>[vector<16xi32>, vector<16xi32>], vector<16xf32>,
        %gather3A_500 = tpu.vector_load_idx %arg5[%get3A_183, %broadcast_in_dim3A_492] : memref<5000x16xf32, #tpu.memory_space<vmem>>[vector<16xi32>, vector<16xi32>], vector<16xf32>,
        %gather3A_501 = tpu.vector_load_idx %arg5[%get3A_188, %broadcast_in_dim3A_492] : memref<5000x16xf32, #tpu.memory_space<vmem>>[vector<16xi32>, vector<16xi32>], vector<16xf32>,
        %gather3A_502 = tpu.vector_load_idx %arg5[%get3A_193, %broadcast_in_dim3A_492] : memref<5000x16xf32, #tpu.memory_space<vmem>>[vector<16xi32>, vector<16xi32>], vector<16xf32>,
        %add3A_503 = arith.addf %gather3A_493, %gather3A_494 : vector<16xf32>
        %add3A_504 = arith.addf %gather3A_495, %gather3A_496 : vector<16xf32>
        %add3A_505 = arith.addf %gather3A_497, %gather3A_498 : vector<16xf32>
        %add3A_506 = arith.addf %gather3A_499, %gather3A_500 : vector<16xf32>
        %add3A_507 = arith.addf %gather3A_501, %gather3A_502 : vector<16xf32>
        %add3A_508 = arith.addf %add3A_503, %add3A_504 : vector<16xf32>
        %add3A_509 = arith.addf %add3A_505, %add3A_506 : vector<16xf32>
        %add3A_510 = arith.addf %add3A_508, %add3A_509 : vector<16xf32>
        %add3A_511 = arith.addf %add3A_510, %add3A_507 : vector<16xf32>
        %scatter3A_512 = arith.constant 0 : i32
        %scatter3A_513 = arith.constant 0 : i32
        %scatter3A_514 = tpu.memref_slice %arg7[%rem3A_88, %scatter3A_512, %scatter3A_513] : memref<2x512x16xf32, #tpu.memory_space<vmem>> -> memref<1x512x16xf32, #tpu.memory_space<vmem>>
        %scatter3A_515 = tpu.memref_squeeze %scatter3A_514 : memref<1x512x16xf32, #tpu.memory_space<vmem>> -> memref<512x16xf32, #tpu.memory_space<vmem>>
        tpu.vector_store_idx %scatter3A_515[%add3A_144, %broadcast_in_dim3A_492], %add3A_511 : memref<512x16xf32, #tpu.memory_space<vmem>>[vector<16xi32>, vector<16xi32>], vector<16xf32>,
        %broadcast_in_dim3A_516 = arith.constant 13 : i32
        %broadcast_in_dim3A_517 = vector.broadcast %broadcast_in_dim3A_516 : i32 to vector<16xi32>
        %gather3A_518 = tpu.vector_load_idx %arg5[%get3A_148, %broadcast_in_dim3A_517] : memref<5000x16xf32, #tpu.memory_space<vmem>>[vector<16xi32>, vector<16xi32>], vector<16xf32>,
        %gather3A_519 = tpu.vector_load_idx %arg5[%get3A_153, %broadcast_in_dim3A_517] : memref<5000x16xf32, #tpu.memory_space<vmem>>[vector<16xi32>, vector<16xi32>], vector<16xf32>,
        %gather3A_520 = tpu.vector_load_idx %arg5[%get3A_158, %broadcast_in_dim3A_517] : memref<5000x16xf32, #tpu.memory_space<vmem>>[vector<16xi32>, vector<16xi32>], vector<16xf32>,
        %gather3A_521 = tpu.vector_load_idx %arg5[%get3A_163, %broadcast_in_dim3A_517] : memref<5000x16xf32, #tpu.memory_space<vmem>>[vector<16xi32>, vector<16xi32>], vector<16xf32>,
        %gather3A_522 = tpu.vector_load_idx %arg5[%get3A_168, %broadcast_in_dim3A_517] : memref<5000x16xf32, #tpu.memory_space<vmem>>[vector<16xi32>, vector<16xi32>], vector<16xf32>,
        %gather3A_523 = tpu.vector_load_idx %arg5[%get3A_173, %broadcast_in_dim3A_517] : memref<5000x16xf32, #tpu.memory_space<vmem>>[vector<16xi32>, vector<16xi32>], vector<16xf32>,
        %gather3A_524 = tpu.vector_load_idx %arg5[%get3A_178, %broadcast_in_dim3A_517] : memref<5000x16xf32, #tpu.memory_space<vmem>>[vector<16xi32>, vector<16xi32>], vector<16xf32>,
        %gather3A_525 = tpu.vector_load_idx %arg5[%get3A_183, %broadcast_in_dim3A_517] : memref<5000x16xf32, #tpu.memory_space<vmem>>[vector<16xi32>, vector<16xi32>], vector<16xf32>,
        %gather3A_526 = tpu.vector_load_idx %arg5[%get3A_188, %broadcast_in_dim3A_517] : memref<5000x16xf32, #tpu.memory_space<vmem>>[vector<16xi32>, vector<16xi32>], vector<16xf32>,
        %gather3A_527 = tpu.vector_load_idx %arg5[%get3A_193, %broadcast_in_dim3A_517] : memref<5000x16xf32, #tpu.memory_space<vmem>>[vector<16xi32>, vector<16xi32>], vector<16xf32>,
        %add3A_528 = arith.addf %gather3A_518, %gather3A_519 : vector<16xf32>
        %add3A_529 = arith.addf %gather3A_520, %gather3A_521 : vector<16xf32>
        %add3A_530 = arith.addf %gather3A_522, %gather3A_523 : vector<16xf32>
        %add3A_531 = arith.addf %gather3A_524, %gather3A_525 : vector<16xf32>
        %add3A_532 = arith.addf %gather3A_526, %gather3A_527 : vector<16xf32>
        %add3A_533 = arith.addf %add3A_528, %add3A_529 : vector<16xf32>
        %add3A_534 = arith.addf %add3A_530, %add3A_531 : vector<16xf32>
        %add3A_535 = arith.addf %add3A_533, %add3A_534 : vector<16xf32>
        %add3A_536 = arith.addf %add3A_535, %add3A_532 : vector<16xf32>
        %scatter3A_537 = arith.constant 0 : i32
        %scatter3A_538 = arith.constant 0 : i32
        %scatter3A_539 = tpu.memref_slice %arg7[%rem3A_88, %scatter3A_537, %scatter3A_538] : memref<2x512x16xf32, #tpu.memory_space<vmem>> -> memref<1x512x16xf32, #tpu.memory_space<vmem>>
        %scatter3A_540 = tpu.memref_squeeze %scatter3A_539 : memref<1x512x16xf32, #tpu.memory_space<vmem>> -> memref<512x16xf32, #tpu.memory_space<vmem>>
        tpu.vector_store_idx %scatter3A_540[%add3A_144, %broadcast_in_dim3A_517], %add3A_536 : memref<512x16xf32, #tpu.memory_space<vmem>>[vector<16xi32>, vector<16xi32>], vector<16xf32>,
        %broadcast_in_dim3A_541 = arith.constant 14 : i32
        %broadcast_in_dim3A_542 = vector.broadcast %broadcast_in_dim3A_541 : i32 to vector<16xi32>
        %gather3A_543 = tpu.vector_load_idx %arg5[%get3A_148, %broadcast_in_dim3A_542] : memref<5000x16xf32, #tpu.memory_space<vmem>>[vector<16xi32>, vector<16xi32>], vector<16xf32>,
        %gather3A_544 = tpu.vector_load_idx %arg5[%get3A_153, %broadcast_in_dim3A_542] : memref<5000x16xf32, #tpu.memory_space<vmem>>[vector<16xi32>, vector<16xi32>], vector<16xf32>,
        %gather3A_545 = tpu.vector_load_idx %arg5[%get3A_158, %broadcast_in_dim3A_542] : memref<5000x16xf32, #tpu.memory_space<vmem>>[vector<16xi32>, vector<16xi32>], vector<16xf32>,
        %gather3A_546 = tpu.vector_load_idx %arg5[%get3A_163, %broadcast_in_dim3A_542] : memref<5000x16xf32, #tpu.memory_space<vmem>>[vector<16xi32>, vector<16xi32>], vector<16xf32>,
        %gather3A_547 = tpu.vector_load_idx %arg5[%get3A_168, %broadcast_in_dim3A_542] : memref<5000x16xf32, #tpu.memory_space<vmem>>[vector<16xi32>, vector<16xi32>], vector<16xf32>,
        %gather3A_548 = tpu.vector_load_idx %arg5[%get3A_173, %broadcast_in_dim3A_542] : memref<5000x16xf32, #tpu.memory_space<vmem>>[vector<16xi32>, vector<16xi32>], vector<16xf32>,
        %gather3A_549 = tpu.vector_load_idx %arg5[%get3A_178, %broadcast_in_dim3A_542] : memref<5000x16xf32, #tpu.memory_space<vmem>>[vector<16xi32>, vector<16xi32>], vector<16xf32>,
        %gather3A_550 = tpu.vector_load_idx %arg5[%get3A_183, %broadcast_in_dim3A_542] : memref<5000x16xf32, #tpu.memory_space<vmem>>[vector<16xi32>, vector<16xi32>], vector<16xf32>,
        %gather3A_551 = tpu.vector_load_idx %arg5[%get3A_188, %broadcast_in_dim3A_542] : memref<5000x16xf32, #tpu.memory_space<vmem>>[vector<16xi32>, vector<16xi32>], vector<16xf32>,
        %gather3A_552 = tpu.vector_load_idx %arg5[%get3A_193, %broadcast_in_dim3A_542] : memref<5000x16xf32, #tpu.memory_space<vmem>>[vector<16xi32>, vector<16xi32>], vector<16xf32>,
        %add3A_553 = arith.addf %gather3A_543, %gather3A_544 : vector<16xf32>
        %add3A_554 = arith.addf %gather3A_545, %gather3A_546 : vector<16xf32>
        %add3A_555 = arith.addf %gather3A_547, %gather3A_548 : vector<16xf32>
        %add3A_556 = arith.addf %gather3A_549, %gather3A_550 : vector<16xf32>
        %add3A_557 = arith.addf %gather3A_551, %gather3A_552 : vector<16xf32>
        %add3A_558 = arith.addf %add3A_553, %add3A_554 : vector<16xf32>
        %add3A_559 = arith.addf %add3A_555, %add3A_556 : vector<16xf32>
        %add3A_560 = arith.addf %add3A_558, %add3A_559 : vector<16xf32>
        %add3A_561 = arith.addf %add3A_560, %add3A_557 : vector<16xf32>
        %scatter3A_562 = arith.constant 0 : i32
        %scatter3A_563 = arith.constant 0 : i32
        %scatter3A_564 = tpu.memref_slice %arg7[%rem3A_88, %scatter3A_562, %scatter3A_563] : memref<2x512x16xf32, #tpu.memory_space<vmem>> -> memref<1x512x16xf32, #tpu.memory_space<vmem>>
        %scatter3A_565 = tpu.memref_squeeze %scatter3A_564 : memref<1x512x16xf32, #tpu.memory_space<vmem>> -> memref<512x16xf32, #tpu.memory_space<vmem>>
        tpu.vector_store_idx %scatter3A_565[%add3A_144, %broadcast_in_dim3A_542], %add3A_561 : memref<512x16xf32, #tpu.memory_space<vmem>>[vector<16xi32>, vector<16xi32>], vector<16xf32>,
        %broadcast_in_dim3A_566 = arith.constant 15 : i32
        %broadcast_in_dim3A_567 = vector.broadcast %broadcast_in_dim3A_566 : i32 to vector<16xi32>
        %gather3A_568 = tpu.vector_load_idx %arg5[%get3A_148, %broadcast_in_dim3A_567] : memref<5000x16xf32, #tpu.memory_space<vmem>>[vector<16xi32>, vector<16xi32>], vector<16xf32>,
        %gather3A_569 = tpu.vector_load_idx %arg5[%get3A_153, %broadcast_in_dim3A_567] : memref<5000x16xf32, #tpu.memory_space<vmem>>[vector<16xi32>, vector<16xi32>], vector<16xf32>,
        %gather3A_570 = tpu.vector_load_idx %arg5[%get3A_158, %broadcast_in_dim3A_567] : memref<5000x16xf32, #tpu.memory_space<vmem>>[vector<16xi32>, vector<16xi32>], vector<16xf32>,
        %gather3A_571 = tpu.vector_load_idx %arg5[%get3A_163, %broadcast_in_dim3A_567] : memref<5000x16xf32, #tpu.memory_space<vmem>>[vector<16xi32>, vector<16xi32>], vector<16xf32>,
        %gather3A_572 = tpu.vector_load_idx %arg5[%get3A_168, %broadcast_in_dim3A_567] : memref<5000x16xf32, #tpu.memory_space<vmem>>[vector<16xi32>, vector<16xi32>], vector<16xf32>,
        %gather3A_573 = tpu.vector_load_idx %arg5[%get3A_173, %broadcast_in_dim3A_567] : memref<5000x16xf32, #tpu.memory_space<vmem>>[vector<16xi32>, vector<16xi32>], vector<16xf32>,
        %gather3A_574 = tpu.vector_load_idx %arg5[%get3A_178, %broadcast_in_dim3A_567] : memref<5000x16xf32, #tpu.memory_space<vmem>>[vector<16xi32>, vector<16xi32>], vector<16xf32>,
        %gather3A_575 = tpu.vector_load_idx %arg5[%get3A_183, %broadcast_in_dim3A_567] : memref<5000x16xf32, #tpu.memory_space<vmem>>[vector<16xi32>, vector<16xi32>], vector<16xf32>,
        %gather3A_576 = tpu.vector_load_idx %arg5[%get3A_188, %broadcast_in_dim3A_567] : memref<5000x16xf32, #tpu.memory_space<vmem>>[vector<16xi32>, vector<16xi32>], vector<16xf32>,
        %gather3A_577 = tpu.vector_load_idx %arg5[%get3A_193, %broadcast_in_dim3A_567] : memref<5000x16xf32, #tpu.memory_space<vmem>>[vector<16xi32>, vector<16xi32>], vector<16xf32>,
        %add3A_578 = arith.addf %gather3A_568, %gather3A_569 : vector<16xf32>
        %add3A_579 = arith.addf %gather3A_570, %gather3A_571 : vector<16xf32>
        %add3A_580 = arith.addf %gather3A_572, %gather3A_573 : vector<16xf32>
        %add3A_581 = arith.addf %gather3A_574, %gather3A_575 : vector<16xf32>
        %add3A_582 = arith.addf %gather3A_576, %gather3A_577 : vector<16xf32>
        %add3A_583 = arith.addf %add3A_578, %add3A_579 : vector<16xf32>
        %add3A_584 = arith.addf %add3A_580, %add3A_581 : vector<16xf32>
        %add3A_585 = arith.addf %add3A_583, %add3A_584 : vector<16xf32>
        %add3A_586 = arith.addf %add3A_585, %add3A_582 : vector<16xf32>
        %scatter3A_587 = arith.constant 0 : i32
        %scatter3A_588 = arith.constant 0 : i32
        %scatter3A_589 = tpu.memref_slice %arg7[%rem3A_88, %scatter3A_587, %scatter3A_588] : memref<2x512x16xf32, #tpu.memory_space<vmem>> -> memref<1x512x16xf32, #tpu.memory_space<vmem>>
        %scatter3A_590 = tpu.memref_squeeze %scatter3A_589 : memref<1x512x16xf32, #tpu.memory_space<vmem>> -> memref<512x16xf32, #tpu.memory_space<vmem>>
        tpu.vector_store_idx %scatter3A_590[%add3A_144, %broadcast_in_dim3A_567], %add3A_586 : memref<512x16xf32, #tpu.memory_space<vmem>>[vector<16xi32>, vector<16xi32>], vector<16xf32>,
      }
      %scan3A_118 = arith.constant 32 : i32
      %mul3A_119 = arith.constant 512 : i32
      %mul3A_120 = arith.muli %scan3A_86, %mul3A_119 : i32
      %add3A_121 = arith.addi %mul3A_20, %mul3A_120 : i32
      %dma_start3A_122 = arith.constant 0 : i32
      %dma_start3A_123 = arith.constant 0 : i32
      %dma_start3A_124 = tpu.memref_slice %arg7[%rem3A_88, %dma_start3A_122, %dma_start3A_123] : memref<2x512x16xf32, #tpu.memory_space<vmem>> -> memref<1x512x16xf32, #tpu.memory_space<vmem>>
      %dma_start3A_125 = tpu.memref_squeeze %dma_start3A_124 : memref<1x512x16xf32, #tpu.memory_space<vmem>> -> memref<512x16xf32, #tpu.memory_space<vmem>>
      %dma_start3A_126 = arith.constant 0 : i32
      %dma_start3A_127 = tpu.memref_slice %arg4[%rem3A_1, %add3A_121, %dma_start3A_126] : memref<8x100352x16xf32, #tpu.memory_space<hbm>> -> memref<1x512x16xf32, #tpu.memory_space<hbm>>
      %dma_start3A_128 = tpu.memref_squeeze %dma_start3A_127 : memref<1x512x16xf32, #tpu.memory_space<hbm>> -> memref<512x16xf32, #tpu.memory_space<hbm>>
      %dma_start3A_129 = tpu.memref_slice %arg9[%rem3A_88] : memref<2x!tpu.dma_semaphore, #tpu.memory_space<semaphore_mem>> -> memref<1x!tpu.dma_semaphore, #tpu.memory_space<semaphore_mem>>
      %dma_start3A_130 = tpu.memref_squeeze %dma_start3A_129 : memref<1x!tpu.dma_semaphore, #tpu.memory_space<semaphore_mem>> -> memref<!tpu.dma_semaphore, #tpu.memory_space<semaphore_mem>>
      %dma_start3A_131 = arith.constant 0 : i32
      %dma_start3A_132 = tpu.memref_slice %arg4[%rem3A_1, %add3A_121, %dma_start3A_131] : memref<8x100352x16xf32, #tpu.memory_space<hbm>> -> memref<1x512x16xf32, #tpu.memory_space<hbm>>
      %dma_start3A_133 = tpu.memref_squeeze %dma_start3A_132 : memref<1x512x16xf32, #tpu.memory_space<hbm>> -> memref<512x16xf32, #tpu.memory_space<hbm>>
      %dma_start3A_134 = arith.constant 0 : i32
      %dma_start3A_135 = arith.constant 0 : i32
      %dma_start3A_136 = tpu.memref_slice %arg7[%rem3A_88, %dma_start3A_134, %dma_start3A_135] : memref<2x512x16xf32, #tpu.memory_space<vmem>> -> memref<1x512x16xf32, #tpu.memory_space<vmem>>
      %dma_start3A_137 = tpu.memref_squeeze %dma_start3A_136 : memref<1x512x16xf32, #tpu.memory_space<vmem>> -> memref<512x16xf32, #tpu.memory_space<vmem>>
      tpu.enqueue_dma source(%dma_start3A_137 : memref<512x16xf32, #tpu.memory_space<vmem>>) target(%dma_start3A_133 : memref<512x16xf32, #tpu.memory_space<hbm>>) target_semaphore(%dma_start3A_130 : memref<!tpu.dma_semaphore, #tpu.memory_space<semaphore_mem>>)
    }
    %scan3A_42 = arith.constant 49 : i32
    %rem3A_43 = arith.constant 47 : i32
    %rem3A_44 = arith.constant 2 : i32
    %rem3A_45 = arith.remsi %rem3A_43, %rem3A_44 : i32
    %dma_wait3A = arith.constant 0 : i32
    %dma_wait3A_46 = arith.constant 0 : i32
    %dma_wait3A_47 = arith.constant 0 : i32
    %dma_wait3A_48 = tpu.memref_slice %arg7[%rem3A_45, %dma_wait3A_46, %dma_wait3A_47] : memref<2x512x16xf32, #tpu.memory_space<vmem>> -> memref<1x512x16xf32, #tpu.memory_space<vmem>>
    %dma_wait3A_49 = tpu.memref_squeeze %dma_wait3A_48 : memref<1x512x16xf32, #tpu.memory_space<vmem>> -> memref<512x16xf32, #tpu.memory_space<vmem>>
    %dma_wait3A_50 = arith.constant 0 : i32
    %dma_wait3A_51 = arith.constant 0 : i32
    %dma_wait3A_52 = tpu.memref_slice %arg4[%dma_wait3A, %dma_wait3A_50, %dma_wait3A_51] : memref<8x100352x16xf32, #tpu.memory_space<hbm>> -> memref<1x512x16xf32, #tpu.memory_space<hbm>>
    %dma_wait3A_53 = tpu.memref_squeeze %dma_wait3A_52 : memref<1x512x16xf32, #tpu.memory_space<hbm>> -> memref<512x16xf32, #tpu.memory_space<hbm>>
    %dma_wait3A_54 = tpu.memref_slice %arg9[%rem3A_45] : memref<2x!tpu.dma_semaphore, #tpu.memory_space<semaphore_mem>> -> memref<1x!tpu.dma_semaphore, #tpu.memory_space<semaphore_mem>>
    %dma_wait3A_55 = tpu.memref_squeeze %dma_wait3A_54 : memref<1x!tpu.dma_semaphore, #tpu.memory_space<semaphore_mem>> -> memref<!tpu.dma_semaphore, #tpu.memory_space<semaphore_mem>>
    %dma_wait3A_56 = arith.constant 0 : i32
    %dma_wait3A_57 = arith.constant 0 : i32
    %dma_wait3A_58 = tpu.memref_slice %arg4[%dma_wait3A, %dma_wait3A_56, %dma_wait3A_57] : memref<8x100352x16xf32, #tpu.memory_space<hbm>> -> memref<1x512x16xf32, #tpu.memory_space<hbm>>
    %dma_wait3A_59 = tpu.memref_squeeze %dma_wait3A_58 : memref<1x512x16xf32, #tpu.memory_space<hbm>> -> memref<512x16xf32, #tpu.memory_space<hbm>>
    %dma_wait3A_60 = arith.constant 0 : i32
    %dma_wait3A_61 = arith.constant 0 : i32
    %dma_wait3A_62 = tpu.memref_slice %arg7[%rem3A_45, %dma_wait3A_60, %dma_wait3A_61] : memref<2x512x16xf32, #tpu.memory_space<vmem>> -> memref<1x512x16xf32, #tpu.memory_space<vmem>>
    %dma_wait3A_63 = tpu.memref_squeeze %dma_wait3A_62 : memref<1x512x16xf32, #tpu.memory_space<vmem>> -> memref<512x16xf32, #tpu.memory_space<vmem>>
    tpu.wait_dma2 semaphore(%dma_wait3A_55 : memref<!tpu.dma_semaphore, #tpu.memory_space<semaphore_mem>>) src(%dma_wait3A_63 : memref<512x16xf32, #tpu.memory_space<vmem>>) dst(%dma_wait3A_59 : memref<512x16xf32, #tpu.memory_space<hbm>>)
    %rem3A_64 = arith.constant 48 : i32
    %rem3A_65 = arith.constant 2 : i32
    %rem3A_66 = arith.remsi %rem3A_64, %rem3A_65 : i32
    %dma_wait3A_67 = arith.constant 0 : i32
    %dma_wait3A_68 = arith.constant 0 : i32
    %dma_wait3A_69 = arith.constant 0 : i32
    %dma_wait3A_70 = tpu.memref_slice %arg7[%rem3A_66, %dma_wait3A_68, %dma_wait3A_69] : memref<2x512x16xf32, #tpu.memory_space<vmem>> -> memref<1x512x16xf32, #tpu.memory_space<vmem>>
    %dma_wait3A_71 = tpu.memref_squeeze %dma_wait3A_70 : memref<1x512x16xf32, #tpu.memory_space<vmem>> -> memref<512x16xf32, #tpu.memory_space<vmem>>
    %dma_wait3A_72 = arith.constant 0 : i32
    %dma_wait3A_73 = arith.constant 0 : i32
    %dma_wait3A_74 = tpu.memref_slice %arg4[%dma_wait3A_67, %dma_wait3A_72, %dma_wait3A_73] : memref<8x100352x16xf32, #tpu.memory_space<hbm>> -> memref<1x512x16xf32, #tpu.memory_space<hbm>>
    %dma_wait3A_75 = tpu.memref_squeeze %dma_wait3A_74 : memref<1x512x16xf32, #tpu.memory_space<hbm>> -> memref<512x16xf32, #tpu.memory_space<hbm>>
    %dma_wait3A_76 = tpu.memref_slice %arg9[%rem3A_66] : memref<2x!tpu.dma_semaphore, #tpu.memory_space<semaphore_mem>> -> memref<1x!tpu.dma_semaphore, #tpu.memory_space<semaphore_mem>>
    %dma_wait3A_77 = tpu.memref_squeeze %dma_wait3A_76 : memref<1x!tpu.dma_semaphore, #tpu.memory_space<semaphore_mem>> -> memref<!tpu.dma_semaphore, #tpu.memory_space<semaphore_mem>>
    %dma_wait3A_78 = arith.constant 0 : i32
    %dma_wait3A_79 = arith.constant 0 : i32
    %dma_wait3A_80 = tpu.memref_slice %arg4[%dma_wait3A_67, %dma_wait3A_78, %dma_wait3A_79] : memref<8x100352x16xf32, #tpu.memory_space<hbm>> -> memref<1x512x16xf32, #tpu.memory_space<hbm>>
    %dma_wait3A_81 = tpu.memref_squeeze %dma_wait3A_80 : memref<1x512x16xf32, #tpu.memory_space<hbm>> -> memref<512x16xf32, #tpu.memory_space<hbm>>
    %dma_wait3A_82 = arith.constant 0 : i32
    %dma_wait3A_83 = arith.constant 0 : i32
    %dma_wait3A_84 = tpu.memref_slice %arg7[%rem3A_66, %dma_wait3A_82, %dma_wait3A_83] : memref<2x512x16xf32, #tpu.memory_space<vmem>> -> memref<1x512x16xf32, #tpu.memory_space<vmem>>
    %dma_wait3A_85 = tpu.memref_squeeze %dma_wait3A_84 : memref<1x512x16xf32, #tpu.memory_space<vmem>> -> memref<512x16xf32, #tpu.memory_space<vmem>>
    tpu.wait_dma2 semaphore(%dma_wait3A_77 : memref<!tpu.dma_semaphore, #tpu.memory_space<semaphore_mem>>) src(%dma_wait3A_85 : memref<512x16xf32, #tpu.memory_space<vmem>>) dst(%dma_wait3A_81 : memref<512x16xf32, #tpu.memory_space<hbm>>)
    return
  }
}

</mosaic_0001>

<sc_bundles>
// kernel: kernel.3.cloned.1.call-start
scs
__scs_entry_jumppad:
0x0: {  	(pc) =	sbr.rel $0x88, $3  }
0x1: {  	(tag) =	ssettag $0x0;
	lr =	simm.s32 $0x1  }
0x2: {  	[smem:$0x3F9F] =	sst lr;
	_ =	strace $0xD0000000  }
0x3: {  	_ = 	snop  }
0x4: {  	_ = 	snop  }
0x5: {  	_ = 	snop  }
0x6: {  	_ = 	snop  }
0x7: {  	_ = 	snop  }
__scs_overlays_trampoline_lowered:
0x8: {  	[smem:$0x3FAE] =	sst s0  }
0x9: {  	[smem:$0x3FAF] =	sst s1  }
0xa: {  	[smem:$0x3FB0] =	sst s2  }
0xb: {  	[smem:$0x3FB1] =	sst s3  }
0xc: {  	[smem:$0x3FB2] =	sst s4  }
0xd: {  	[smem:$0x3FB3] =	sst s5  }
0xe: {  	[smem:$0x3FB4] =	sst s6  }
0xf: {  	[smem:$0x3FB5] =	sst s7  }
0x10: {  	[smem:$0x3FB6] =	sst s8  }
0x11: {  	[smem:$0x3FB7] =	sst s9;
	s0 =	simm.s32 @!p0 $0x0  }
0x12: {  	s1 =	sld [smem:$0x3F9D];
	s0 =	simm.s32 @p0 $0x1  }
0x13: {  	[smem:$0x3FB8] =	sst s0;
	s0 =	simm.s32 @!p1 $0x0  }
0x14: {  	s2 =	sld [smem:$0x3F9C];
	s0 =	simm.s32 @p1 $0x1  }
0x15: {  	[smem:$0x3FB9] =	sst s0;
	s0 =	simm.s32 @!p2 $0x0  }
0x16: {  	s3 =	sld [smem:$0x3FDB];
	s0 =	simm.s32 @p2 $0x1  }
0x17: {  	s4 =	simm.s32 $0x1BF5;
	[smem:$0x3FBB] =	sst s0  }
0x18: {  	s0 =	sld [smem:$0x3F9E];
	_ =	swait.ge [sflag:s4], $0x0  }
0x19: {  	s7 =	sld [smem:$0x3F9F]  }
0x1a: {  	s8 =	sadd.s32 $0xFFFFE003, lr  }
0x1b: {  	s9 =	sadd.s32 $0xFFFFFEF7, lr;
	s5 =	simm.s32 $0xFFFFFFFF;
	p2 =	slt.u32 s8, $0xFFFFF086  }
0x1c: {  	p1 =	slt.u32 s9, $0xF7A;
	s5 =	simm.s32 @!p2 $0x0  }
0x1d: {  	s5 =	simm.s32 @p1 $0x1;
	p0 =	seq.s32 s7, s2  }
0x1e: {  	s7 =	smul.u32 @!p0 $0xF7A, s2;
	p2 =	seq.s32 @!p0 s5, $0x0  }
0x1f: {  	s9 =	smul.u32 $0xF7A, s1;
	s8 =	simm.s32 @!p0 $0x1BF5;
	p2 =	por !p2, p0  }
0x20: {  	[sflag:s8] =	ssyncset.s32 @!p0 $0xFFFFF086;
	s6 =	sadd.s32 @!p0 s3, s7;
	s7 =	simm.s32 @!p0 $0x108  }
0x21: {  	s3 =	sadd.s32 s3, s9;
	s6 =	sadd.s32 @!p0 $0x88, s6;
	s7 =	simm.s32 @p2 $0x1082  }
0x22: {  	[simem:s7], [sflag:s8] =	dma.local @!p0 [hbm:s6], $0xF7A  }
0x23: {  	s9 =	sor.u32 $0xD0000000, s2;
	s6 =	simm.s32 $0x108;
	_ =	swait.ge @!p0 [sflag:s8], $0x0  }
0x24: {  	s3 =	sadd.s32 $0x88, s3;
	s6 =	simm.s32 @!p1 $0x1082;
	[sflag:s4] =	ssyncset.s32 $0xFFFFF086  }
0x25: {  	[simem:s6], [sflag:s4] =	dma.local [hbm:s3], $0xF7A  }
0x26: {  	[smem:$0x3F9F] =	sst s1;
	(tag) =	ssettag s2;
	_ =	strace s9  }
0x27: {  	s1 =	sld [smem:$0x3FAF]  }
0x28: {  	s2 =	sld [smem:$0x3FB0]  }
0x29: {  	s4 =	sld [smem:$0x3FB2]  }
0x2a: {  	p0 =	seq.s32 s5, $0x0;
	s5 =	sld [smem:$0x3FB3]  }
0x2b: {  	s6 =	sld [smem:$0x3FB4]  }
0x2c: {  	s7 =	sld [smem:$0x3FB5]  }
0x2d: {  	s3 =	simm.s32 $0x108;
	s8 =	sld [smem:$0x3FB6]  }
0x2e: {  	s3 =	simm.s32 @!p0 $0x1082;
	s9 =	sld [smem:$0x3FB7]  }
0x2f: {  	lr =	sadd.s32 s0, s3;
	s0 =	sld [smem:$0x3FAE]  }
0x30: {  	s3 =	sld [smem:$0x3FB1]  }
0x31: {  	[smem:$0x3FBA] =	sst s10  }
0x32: {  	s10 =	sld [smem:$0x3FB8];
	_ =	sdelay $0x3  }
0x33: {  	p0 =	seq.s32 s10, $0x1;
	s10 =	sld [smem:$0x3FBA];
	_ =	sdelay $0x3  }
0x34: {  	[smem:$0x3FBA] =	sst s10  }
0x35: {  	s10 =	sld [smem:$0x3FB9];
	_ =	sdelay $0x3  }
0x36: {  	p1 =	seq.s32 s10, $0x1;
	s10 =	sld [smem:$0x3FBA];
	_ =	sdelay $0x3  }
0x37: {  	[smem:$0x3FBA] =	sst s10  }
0x38: {  	s10 =	sld [smem:$0x3FBB]  }
0x39: {  	_ = 	snop;
	(pc) =	sbr.ind lr, $3  }
0x3a: {  	_ = 	snop  }
0x3b: {  	_ = 	snop  }
0x3c: {  	p2 =	seq.s32 s10, $0x1;
	s10 =	sld [smem:$0x3FBA]  }
0x3d: {  	_ =	shalt  }
0x3e: {  	_ =	shalt  }
0x3f: {  	_ =	shalt  }
0x40: {  	_ =	shalt  }
0x41: {  	_ =	shalt  }
0x42: {  	_ =	shalt  }
0x43: {  	_ =	shalt  }
0x44: {  	_ =	shalt  }
0x45: {  	_ =	shalt  }
0x46: {  	_ =	shalt  }
0x47: {  	_ =	shalt  }
0x48: {  	_ =	shalt  }
0x49: {  	_ =	shalt  }
0x4a: {  	_ =	shalt  }
0x4b: {  	_ =	shalt  }
0x4c: {  	_ =	shalt  }
0x4d: {  	_ =	shalt  }
0x4e: {  	_ =	shalt  }
0x4f: {  	_ =	shalt  }
0x50: {  	_ =	shalt  }
0x51: {  	_ =	shalt  }
0x52: {  	_ =	shalt  }
0x53: {  	_ =	shalt  }
0x54: {  	_ =	shalt  }
0x55: {  	_ =	shalt  }
0x56: {  	_ =	shalt  }
0x57: {  	_ =	shalt  }
0x58: {  	_ =	shalt  }
0x59: {  	_ =	shalt  }
0x5a: {  	_ =	shalt  }
0x5b: {  	_ =	shalt  }
0x5c: {  	_ =	shalt  }
0x5d: {  	_ =	shalt  }
0x5e: {  	_ =	shalt  }
0x5f: {  	_ =	shalt  }
0x60: {  	_ =	shalt  }
0x61: {  	_ =	shalt  }
0x62: {  	_ =	shalt  }
0x63: {  	_ =	shalt  }
0x64: {  	_ =	shalt  }
0x65: {  	_ =	shalt  }
0x66: {  	_ =	shalt  }
0x67: {  	_ =	shalt  }
0x68: {  	_ =	shalt  }
0x69: {  	_ =	shalt  }
0x6a: {  	_ =	shalt  }
0x6b: {  	_ =	shalt  }
0x6c: {  	_ =	shalt  }
0x6d: {  	_ =	shalt  }
0x6e: {  	_ =	shalt  }
0x6f: {  	_ =	shalt  }
0x70: {  	_ =	shalt  }
0x71: {  	_ =	shalt  }
0x72: {  	_ =	shalt  }
0x73: {  	_ =	shalt  }
0x74: {  	_ =	shalt  }
0x75: {  	_ =	shalt  }
0x76: {  	_ =	shalt  }
0x77: {  	_ =	shalt  }
0x78: {  	_ =	shalt  }
0x79: {  	_ =	shalt  }
0x7a: {  	_ =	shalt  }
0x7b: {  	_ =	shalt  }
0x7c: {  	_ =	shalt  }
0x7d: {  	_ =	shalt  }
0x7e: {  	_ =	shalt  }
0x7f: {  	_ =	shalt  }
0x80: {  	_ =	shalt  }
0x81: {  	_ =	shalt  }
0x82: {  	_ =	shalt  }
0x83: {  	_ =	shalt  }
0x84: {  	_ =	shalt  }
0x85: {  	_ =	shalt  }
0x86: {  	_ =	shalt  }
0x87: {  	_ =	shalt  }
.Lfunc_end0:
.L_simem_size_0:
called_computation.2_lowered:
.L_overlay_start_0:
0x88: {  	s2 =	sld [smem:$0x3FD9]  }
0x89: {  	s3 =	sld [smem:$0x3FFE];
	_ =	sdelay $0x1  }
0x8a: {  	s1 =	srdreg.scid  }
0x8b: {  	s0 =	sand.u32 $0x1, s1  }
0x8c: {  	s17 =	sshll.u32 s0, $0xA;
	s2 =	sadd.s32 s3, s2  }
0x8d: {  	s2 =	sadd.s32 s2, s17  }
0x8e: {  	[smem:$0x3FC6] =	sst s2  }
0x8f: {  	_ = 	snop  }
0x90: {  	s2 =	sld [smem:$0x3FD0];
	(tm) =	ssettm $0x1  }
0x91: {  	s18 =	sld [smem:$0x3FFB];
	_ =	sdelay $0x3  }
0x92: {  	_ =	strace s18  }
0x93: {  	s3 =	sld [smem:$0x3FFC];
	_ =	sdelay $0x3  }
0x94: {  	_ =	strace s3  }
0x95: {  	s3 =	sld [smem:$0x3FFD];
	_ =	sdelay $0x3  }
0x96: {  	_ =	strace s3  }
0x97: {  	_ =	strace $0x8FFFFFFF  }
0x98: {  	s19 =	sld [smem:$0x3FDB];
	_ =	sdelay $0x1  }
0x99: {  	s4 =	simm.s32 $_scs_section_size  }
0x9a: {  	s5 =	simm.s32 $_size__tile_overlayer_lowered;
	s6 =	simm.s32 $_tile_overlayer_lowered  }
0x9b: {  	s22 =	simm.s32 $0x1BFF;
	s21 =	sshll.u32 s6, $0x1;
	s3 =	sadd.s32 s4, s19  }
0x9c: {  	s7 =	simm.s32 $0x0;
	s20 =	sshll.u32 s5, $0x1;
	s5 =	sadd.s32 s21, s3  }
0x9d: {  	[timem:s7], [sflag:s22] =	dma.local [hbm:s5], s20  }
0x9e: {  	_ =	swait.ge [sflag:s22], s20  }
0x9f: {  	s4 =	ssub.s32 $0x0, s20;
	[sflag:s22] =	ssyncset.done $0x0  }
0xa0: {  	[sflag:s22] =	ssyncadd.s32 s4;
	_ =	sdelay $0x1  }
0xa1: {  	s23 =	simm.s32 $0x1B8B  }
0xa2: {  	_ =	swait.ge [sflag:s23], $0x1  }
0xa3: {  	[sflag:s23] =	ssyncset.done $0x0  }
0xa4: {  	s25 =	simm.s32 $0x1B8E;
	s24 =	sld [smem:$0x3FFE];
	[sflag:s23] =	ssyncadd.s32 $0xFFFFFFFF  }
0xa5: {  	s26 =	simm.s32 $execute0_lowered;
	[smem:$0x3FD2] =	sst s25  }
0xa6: {  	s5 =	sshll.u32 s26, $0x1;
	_ =	strace $0x80000046;
	[dreg:$0x1] =	wrdreg $0xFFFFFFFF  }
0xa7: {  	s28 =	simm.s32 $_size_execute0_lowered;
	s3 =	sadd.s32 s3, s5;
	[dreg:$0x0] =	wrdreg $0x0  }
0xa8: {  	s5 =	sshll.u32 s28, $0x1;
	[dreg:$0x2] =	wrdreg s3  }
0xa9: {  	[dreg:$0x3] =	wrdreg s5  }
0xaa: {  	[dreg:$0x4] =	wrdreg $0xC0  }
0xab: {  	_ =	task [dreg:s7], $0x5FFFF  }
0xac: {  	[dreg:$0x1] =	wrdreg $0xFFFFFFFF  }
0xad: {  	[dreg:$0x0] =	wrdreg $0x60  }
0xae: {  	[dreg:$0x2] =	wrdreg s2  }
0xaf: {  	[dreg:$0x3] =	wrdreg s24  }
0xb0: {  	[dreg:$0x4] =	wrdreg $0x9  }
0xb1: {  	_ =	task.clear_ibuf [dreg:s7], $0x5FFFF;
	_ =	strace $0x90000046  }
0xb2: {  	s29 =	simm.s32 $0x9;
	_ =	strace $0x80000048  }
0xb3: {  	_ =	swait.ge [sflag:s29], $0x1  }
0xb4: {  	[sflag:s29] =	ssyncadd.s32 $0xFFFFFFFF  }
0xb5: {  	_ =	strace $0x90000048  }
0xb6: {  	_ =	sfence  }
0xb7: {  	s30 =	sld [smem:$0x0];
	_ =	sdelay $0x2  }
0xb8: {  	s31 =	sshll.u32 s1, $0xD;
	s1 =	sshrl.u32 s1, $0x2  }
0xb9: {  	s3 =	sand.u32 $0x4000, s31;
	s1 =	sadd.s32 s1, s30  }
0xba: {  	s0 =	sor.u32 s3, s0;
	s1 =	sshll.u32 s1, $0x11  }
0xbb: {  	s0 =	sor.u32 s1, s0  }
0xbc: {  	s0 =	sadd.s32 $0x8F2B, s0  }
0xbd: {  	[sflag:s0] =	ssyncadd.remote.s32 $0x1  }
0xbe: {  	_ =	sfence.sel $0xFFFF  }
0xbf: {  	[dreg:$0x0] =	wrdreg $0xFFFFFFFF;
	(pc) =	sbr.abs _section_cstart, $3  }
0xc0: {  	[dreg:$0x1] =	wrdreg $0xFFFFFFFF  }
0xc1: {  	_ =	task.clear_ibuf [dreg:s7], $0x2FFFF;
	_ =	strace $0x9FFFFFFF  }
0xc2: {  	(tm) =	ssettm $0x7FFFFFFF  }
0xc3: {  	_ =	shalt  }
tec
execute0_lowered:
.L_overlay_start_1:
0x0: {  	(tag) =	ssettag $0x1  }
0x1: {  	s0 =	stileid.u32;
	s2 =	rddreg [dreg:$0x0]  }
0x2: {  	s1 =	srdreg.scid;
	s5 =	rddreg [dreg:$0x1]  }
0x3: {  	s13 =	simm.s32 $0x13880;
	s14 =	simm.s32 $0x4;
	s3 =	sshll.u32 s0, $0x1  }
0x4: {  	s15 =	simm.s32 $0x3;
	s6 =	sand.u32 $0x1, s1;
	s30 =	sand.u32 $0x6, s3  }
0x5: {  	s16 =	simm.s32 $0x0;
	s1 =	rddreg [dreg:$0x2];
	s7 =	sor.u32 s6, s30  }
0x6: {  	s8 =	sshrl.u32 s0, $0x2;
	s3 =	simm.s32 $0x0;
	s4 =	smul.u32 $0x2710, s7  }
0x7: {  	[smem:$0x7FF] =	sst s3;
	s6 =	ssub.s32 $0x2, s6;
	s10 =	smul.u32 $0x188000, s7  }
0x8: {  	s31 =	sshrl.u32 s6, $0x1;
	s9 =	sadd.s32 s4, s5;
	s4 =	smul.u32 $0x6200, s8  }
0x9: {  	_ =	strace $0x80000047;
	s12 =	ssub.s32 s6, s31;
	s8 =	smul.u32 $0x62000, s8  }
0xa: {  	s5 =	sadd.s32 $0x14800, s5;
	s6 =	sadd.s32 $0xE00, s9;
	s9 =	smax.u32 s12, $0x1  }
0xb: {  	v0 =	vlaneseq.u32;
	s12 =	simm.s32 $0x18800;
	s11 =	sshrl.u32 s4, $0x3;
	s8 =	sadd.s32 s8, s10  }
0xc: {  	v0 =	vmul.u32 $0x10, v0;
	s10 =	simm.s32 $0x5;
	s7 =	sadd.s32 s2, s11;
	s11 =	simm.s32 $0x200  }
.LBB2_1:
0xd: {  	[tilespmem:s3], [sflag:$0x5] =	stream.linear.gather [hbm4b:s6+s3], $0x13880, $0x38;
	[tilespmem:$0x1A080] =	vst v63  }
0xe: {  	_ =	swait.ge [sflag:s10], $0x13880  }
0xf: {  	[sflag:s10] =	ssyncset.done $0x0  }
0x10: {  	p0 =	por $0x0, $0x0;
	s18 =	simm.s32 $0x0;
	[sflag:s10] =	ssyncadd.s32 $0xFFFEC780  }
0x11: {  	[tilespmem:s13], [sflag:$0x1] =	stream.strided.gather [hbm4b:s7+s11], $0x1400, s12, s11, $0x38;
	[tilespmem:$0x1A080] =	vst v63  }
.LBB2_2:
0x12: {  	s20 =	sand.u32 $0x1, s18;
	s17 =	sadd.s32 $0x1, s18;
	p1 =	seq.s32 s18, $0x30  }
0x13: {  	s19 =	sadd.s32 $0x1, s20;
	s21 =	sand.u32 @!p1 $0x1, s17  }
0x14: {  	_ =	swait.ge [sflag:s19], $0x1400;
	s22 =	smul.u32 @!p1 $0x5000, s21  }
0x15: {  	s23 =	sshll.u32 @!p1 s17, $0x9;
	[sflag:s19] =	ssyncset.done $0x0  }
0x16: {  	[sflag:s19] =	ssyncadd.s32 $0xFFFFEC00;
	s19 =	sshrl.u32 @!p1 s22, $0x2;
	s22 =	sadd.s32 @!p1 s4, s23  }
0x17: {  	s24 =	simm.s32 @!p1 $0x18800;
	s21 =	sadd.s32 @!p1 $0x1, s21;
	s22 =	sshrl.u32 @!p1 s22, $0x3  }
0x18: {  	s23 =	simm.s32 @!p1 $0x200;
	s19 =	sadd.s32 @!p1 $0x13880, s19;
	s22 =	sadd.s32 @!p1 s2, s22  }
0x19: {  	[tilespmem:s19], [sflag:s21] =	stream.strided.gather @!p1 [hbm4b:s22+s23], $0x1400, s24, s23, $0x38;
	[tilespmem:$0x1A080] =	vst v63  }
0x1a: {  	s21 =	simm.s32 $0x1  }
0x1b: {  	p2 =	slt.u32 @!p1 s18, $0x2;
	s21 =	simm.s32 @!p0 $0x0  }
0x1c: {  	p1 =	por p1, !p2;
	s19 =	sadd.s32 $0x3, s20;
	s21 =	smul.u32 $0x5000, s21  }
0x1d: {  	s20 =	sshll.u32 s20, $0xD;
	_ =	swait.ge @p1 [sflag:s19], $0x2000  }
0x1e: {  	s22 =	simm.s32 $0x0;
	[sflag:s19] =	ssyncset.done @p1 $0x0;
	s21 =	sshrl.u32 s21, $0x2  }
0x1f: {  	s20 =	sadd.s32 $0x16080, s20;
	[sflag:s19] =	ssyncadd.s32 @p1 $0xFFFFE000;
	s21 =	sor.u32 $0x14280, s21  }
.LBB2_3:
0x20: {  	v1 =	vld [tilespmem:s21+$0xFFFFF600]  }
0x21: {  	v2 =	vld [tilespmem:s21+$0xFFFFF800]  }
0x22: {  	v3 =	vld [tilespmem:s21+$0xFFFFFA00]  }
0x23: {  	v4 =	vld [tilespmem:s21+$0xFFFFFC00]  }
0x24: {  	v5 =	vld [tilespmem:s21+$0xFFFFFE00]  }
0x25: {  	v6 =	vld [tilespmem:s21+$0x0];
	v1 =	vshll.u32 v1, $0x4  }
0x26: {  	v7 =	vld [tilespmem:s21+$0x200];
	v2 =	vshll.u32 v2, $0x4  }
0x27: {  	v8 =	vld [tilespmem:s21+$0x400];
	v3 =	vshll.u32 v3, $0x4  }
0x28: {  	v9 =	vld [tilespmem:s21+$0x600];
	v4 =	vshll.u32 v4, $0x4  }
0x29: {  	v10 =	vld [tilespmem:s21+$0x800];
	v5 =	vshll.u32 v5, $0x4  }
0x2a: {  	v6 =	vshll.u32 v6, $0x4;
	v11 =	vld.idx.msk [tilespmem:v1+s3+$0x0], $0xffff  }
0x2b: {  	v7 =	vshll.u32 v7, $0x4;
	v12 =	vld.idx.msk [tilespmem:v2+s3+$0x0], $0xffff  }
0x2c: {  	v8 =	vshll.u32 v8, $0x4;
	v13 =	vld.idx.msk [tilespmem:v3+s3+$0x0], $0xffff  }
0x2d: {  	v14 =	vld.idx.msk [tilespmem:v4+s3+$0x0], $0xffff  }
0x2e: {  	v15 =	vld.idx.msk [tilespmem:v5+s3+$0x0], $0xffff  }
0x2f: {  	v9 =	vshll.u32 v9, $0x4;
	v16 =	vld.idx.msk [tilespmem:v6+s3+$0x0], $0xffff  }
0x30: {  	v10 =	vshll.u32 v10, $0x4;
	v17 =	vld.idx.msk [tilespmem:v7+s3+$0x0], $0xffff  }
0x31: {  	v18 =	vld.idx.msk [tilespmem:v8+s3+$0x0], $0xffff;
	_ =	sdelay $0x2  }
0x32: {  	v19 =	vld.idx.msk [tilespmem:v9+s3+$0x0], $0xffff  }
0x33: {  	v20 =	vld.idx.msk [tilespmem:v10+s3+$0x0], $0xffff;
	v11 =	vadd.f32 v12, v11;
	v39 =	vadd.f32 v14, v13  }
0x34: {  	v40 =	vadd.f32 v16, v15;
	v41 =	vadd.f32 v18, v17  }
0x35: {  	v42 =	vmov s22  }
0x36: {  	v15 =	vshll.u32 v42, $0x4;
	v12 =	vadd.f32 v39, v11;
	v13 =	vadd.f32 v41, v40  }
0x37: {  	v11 =	vor.u32 v0, v15  }
0x38: {  	v44 =	vor.u32 $0x1, v1;
	v43 =	vadd.f32 v20, v19;
	v12 =	vadd.f32 v13, v12  }
0x39: {  	v45 =	vor.u32 $0x1, v2  }
0x3a: {  	v46 =	vor.u32 $0x1, v3;
	v12 =	vadd.f32 v43, v12  }
0x3b: {  	v47 =	vor.u32 $0x1, v4  }
0x3c: {  	v48 =	vor.u32 $0x1, v5;
	[tilespmem:v11+s20+$0x0] =	vst.idx.msk $0xffff, v12  }
0x3d: {  	v49 =	vor.u32 $0x1, v6;
	v13 =	vld.idx.msk [tilespmem:v44+s3+$0x0], $0xffff  }
0x3e: {  	v50 =	vor.u32 $0x1, v7;
	v15 =	vld.idx.msk [tilespmem:v45+s3+$0x0], $0xffff  }
0x3f: {  	v51 =	vor.u32 $0x1, v8;
	v14 =	vld.idx.msk [tilespmem:v46+s3+$0x0], $0xffff  }
0x40: {  	v16 =	vld.idx.msk [tilespmem:v47+s3+$0x0], $0xffff  }
0x41: {  	v12 =	vld.idx.msk [tilespmem:v48+s3+$0x0], $0xffff  }
0x42: {  	v52 =	vor.u32 $0x1, v9;
	v17 =	vld.idx.msk [tilespmem:v49+s3+$0x0], $0xffff  }
0x43: {  	v21 =	vor.u32 $0x1, v10;
	v18 =	vld.idx.msk [tilespmem:v50+s3+$0x0], $0xffff  }
0x44: {  	v19 =	vld.idx.msk [tilespmem:v51+s3+$0x0], $0xffff;
	_ =	sdelay $0x2  }
0x45: {  	v20 =	vld.idx.msk [tilespmem:v52+s3+$0x0], $0xffff  }
0x46: {  	v21 =	vld.idx.msk [tilespmem:v21+s3+$0x0], $0xffff;
	v13 =	vadd.f32 v15, v13;
	v14 =	vadd.f32 v16, v14  }
0x47: {  	v12 =	vadd.f32 v17, v12;
	v53 =	vadd.f32 v19, v18;
	_ =	sdelay $0x1  }
0x48: {  	v13 =	vadd.f32 v14, v13;
	v12 =	vadd.f32 v53, v12  }
0x49: {  	v54 =	vor.u32 $0x1, v11  }
0x4a: {  	v56 =	vor.u32 $0x2, v1;
	v55 =	vadd.f32 v21, v20;
	v12 =	vadd.f32 v12, v13  }
0x4b: {  	v57 =	vor.u32 $0x2, v2  }
0x4c: {  	v58 =	vor.u32 $0x2, v3;
	v12 =	vadd.f32 v55, v12  }
0x4d: {  	v59 =	vor.u32 $0x2, v4  }
0x4e: {  	v60 =	vor.u32 $0x2, v5;
	[tilespmem:v54+s20+$0x0] =	vst.idx.msk $0xffff, v12  }
0x4f: {  	v61 =	vor.u32 $0x2, v6;
	v13 =	vld.idx.msk [tilespmem:v56+s3+$0x0], $0xffff  }
0x50: {  	v62 =	vor.u32 $0x2, v7;
	v16 =	vld.idx.msk [tilespmem:v57+s3+$0x0], $0xffff  }
0x51: {  	v63 =	vor.u32 $0x2, v8;
	v15 =	vld.idx.msk [tilespmem:v58+s3+$0x0], $0xffff  }
0x52: {  	v17 =	vld.idx.msk [tilespmem:v59+s3+$0x0], $0xffff  }
0x53: {  	v12 =	vld.idx.msk [tilespmem:v60+s3+$0x0], $0xffff  }
0x54: {  	v24 =	vor.u32 $0x2, v9;
	v14 =	vld.idx.msk [tilespmem:v61+s3+$0x0], $0xffff  }
0x55: {  	v25 =	vor.u32 $0x2, v10;
	v18 =	vld.idx.msk [tilespmem:v62+s3+$0x0], $0xffff  }
0x56: {  	v19 =	vld.idx.msk [tilespmem:v63+s3+$0x0], $0xffff;
	_ =	sdelay $0x2  }
0x57: {  	v20 =	vld.idx.msk [tilespmem:v24+s3+$0x0], $0xffff  }
0x58: {  	v21 =	vld.idx.msk [tilespmem:v25+s3+$0x0], $0xffff;
	v13 =	vadd.f32 v16, v13;
	v15 =	vadd.f32 v17, v15  }
0x59: {  	v12 =	vadd.f32 v14, v12;
	v26 =	vadd.f32 v19, v18;
	_ =	sdelay $0x1  }
0x5a: {  	v13 =	vadd.f32 v15, v13;
	v12 =	vadd.f32 v26, v12  }
0x5b: {  	v27 =	vor.u32 $0x2, v11  }
0x5c: {  	v29 =	vor.u32 $0x3, v1;
	v28 =	vadd.f32 v21, v20;
	v12 =	vadd.f32 v12, v13  }
0x5d: {  	v30 =	vor.u32 $0x3, v2  }
0x5e: {  	v31 =	vor.u32 $0x3, v3;
	v12 =	vadd.f32 v28, v12  }
0x5f: {  	v32 =	vor.u32 $0x3, v4  }
0x60: {  	v33 =	vor.u32 $0x3, v5;
	[tilespmem:v27+s20+$0x0] =	vst.idx.msk $0xffff, v12  }
0x61: {  	v34 =	vor.u32 $0x3, v6;
	v13 =	vld.idx.msk [tilespmem:v29+s3+$0x0], $0xffff  }
0x62: {  	v35 =	vor.u32 $0x3, v7;
	v16 =	vld.idx.msk [tilespmem:v30+s3+$0x0], $0xffff  }
0x63: {  	v36 =	vor.u32 $0x3, v8;
	v15 =	vld.idx.msk [tilespmem:v31+s3+$0x0], $0xffff  }
0x64: {  	v17 =	vld.idx.msk [tilespmem:v32+s3+$0x0], $0xffff  }
0x65: {  	v12 =	vld.idx.msk [tilespmem:v33+s3+$0x0], $0xffff  }
0x66: {  	v37 =	vor.u32 $0x3, v9;
	v14 =	vld.idx.msk [tilespmem:v34+s3+$0x0], $0xffff  }
0x67: {  	v38 =	vor.u32 $0x3, v10;
	v18 =	vld.idx.msk [tilespmem:v35+s3+$0x0], $0xffff  }
0x68: {  	v19 =	vld.idx.msk [tilespmem:v36+s3+$0x0], $0xffff;
	_ =	sdelay $0x2  }
0x69: {  	v20 =	vld.idx.msk [tilespmem:v37+s3+$0x0], $0xffff  }
0x6a: {  	v21 =	vld.idx.msk [tilespmem:v38+s3+$0x0], $0xffff;
	v13 =	vadd.f32 v16, v13;
	v15 =	vadd.f32 v17, v15  }
0x6b: {  	v12 =	vadd.f32 v14, v12;
	v39 =	vadd.f32 v19, v18;
	_ =	sdelay $0x1  }
0x6c: {  	v13 =	vadd.f32 v15, v13;
	v12 =	vadd.f32 v39, v12  }
0x6d: {  	v40 =	vor.u32 $0x3, v11  }
0x6e: {  	v42 =	vor.u32 $0x4, v1;
	v41 =	vadd.f32 v21, v20;
	v12 =	vadd.f32 v12, v13  }
0x6f: {  	v43 =	vor.u32 $0x4, v2  }
0x70: {  	v44 =	vor.u32 $0x4, v3;
	v12 =	vadd.f32 v41, v12  }
0x71: {  	v45 =	vor.u32 $0x4, v4  }
0x72: {  	v46 =	vor.u32 $0x4, v5;
	[tilespmem:v40+s20+$0x0] =	vst.idx.msk $0xffff, v12  }
0x73: {  	v47 =	vor.u32 $0x4, v6;
	v13 =	vld.idx.msk [tilespmem:v42+s3+$0x0], $0xffff  }
0x74: {  	v48 =	vor.u32 $0x4, v7;
	v16 =	vld.idx.msk [tilespmem:v43+s3+$0x0], $0xffff  }
0x75: {  	v49 =	vor.u32 $0x4, v8;
	v15 =	vld.idx.msk [tilespmem:v44+s3+$0x0], $0xffff  }
0x76: {  	v17 =	vld.idx.msk [tilespmem:v45+s3+$0x0], $0xffff  }
0x77: {  	v12 =	vld.idx.msk [tilespmem:v46+s3+$0x0], $0xffff  }
0x78: {  	v50 =	vor.u32 $0x4, v9;
	v14 =	vld.idx.msk [tilespmem:v47+s3+$0x0], $0xffff  }
0x79: {  	v51 =	vor.u32 $0x4, v10;
	v18 =	vld.idx.msk [tilespmem:v48+s3+$0x0], $0xffff  }
0x7a: {  	v19 =	vld.idx.msk [tilespmem:v49+s3+$0x0], $0xffff;
	_ =	sdelay $0x2  }
0x7b: {  	v20 =	vld.idx.msk [tilespmem:v50+s3+$0x0], $0xffff  }
0x7c: {  	v21 =	vld.idx.msk [tilespmem:v51+s3+$0x0], $0xffff;
	v13 =	vadd.f32 v16, v13;
	v15 =	vadd.f32 v17, v15  }
0x7d: {  	v12 =	vadd.f32 v14, v12;
	v52 =	vadd.f32 v19, v18;
	_ =	sdelay $0x1  }
0x7e: {  	v13 =	vadd.f32 v15, v13;
	v12 =	vadd.f32 v52, v12  }
0x7f: {  	v53 =	vor.u32 $0x4, v11  }
0x80: {  	v55 =	vor.u32 $0x5, v1;
	v54 =	vadd.f32 v21, v20;
	v12 =	vadd.f32 v12, v13  }
0x81: {  	v56 =	vor.u32 $0x5, v2  }
0x82: {  	v57 =	vor.u32 $0x5, v3;
	v12 =	vadd.f32 v54, v12  }
0x83: {  	v58 =	vor.u32 $0x5, v4  }
0x84: {  	v59 =	vor.u32 $0x5, v5;
	[tilespmem:v53+s20+$0x0] =	vst.idx.msk $0xffff, v12  }
0x85: {  	v60 =	vor.u32 $0x5, v6;
	v13 =	vld.idx.msk [tilespmem:v55+s3+$0x0], $0xffff  }
0x86: {  	v61 =	vor.u32 $0x5, v7;
	v16 =	vld.idx.msk [tilespmem:v56+s3+$0x0], $0xffff  }
0x87: {  	v62 =	vor.u32 $0x5, v8;
	v15 =	vld.idx.msk [tilespmem:v57+s3+$0x0], $0xffff  }
0x88: {  	v17 =	vld.idx.msk [tilespmem:v58+s3+$0x0], $0xffff  }
0x89: {  	v12 =	vld.idx.msk [tilespmem:v59+s3+$0x0], $0xffff  }
0x8a: {  	v63 =	vor.u32 $0x5, v9;
	v14 =	vld.idx.msk [tilespmem:v60+s3+$0x0], $0xffff  }
0x8b: {  	v24 =	vor.u32 $0x5, v10;
	v18 =	vld.idx.msk [tilespmem:v61+s3+$0x0], $0xffff  }
0x8c: {  	v19 =	vld.idx.msk [tilespmem:v62+s3+$0x0], $0xffff;
	_ =	sdelay $0x2  }
0x8d: {  	v20 =	vld.idx.msk [tilespmem:v63+s3+$0x0], $0xffff  }
0x8e: {  	v21 =	vld.idx.msk [tilespmem:v24+s3+$0x0], $0xffff;
	v13 =	vadd.f32 v16, v13;
	v15 =	vadd.f32 v17, v15  }
0x8f: {  	v12 =	vadd.f32 v14, v12;
	v25 =	vadd.f32 v19, v18;
	_ =	sdelay $0x1  }
0x90: {  	v13 =	vadd.f32 v15, v13;
	v12 =	vadd.f32 v25, v12  }
0x91: {  	v26 =	vor.u32 $0x5, v11  }
0x92: {  	v28 =	vor.u32 $0x6, v1;
	v27 =	vadd.f32 v21, v20;
	v12 =	vadd.f32 v12, v13  }
0x93: {  	v29 =	vor.u32 $0x6, v2  }
0x94: {  	v30 =	vor.u32 $0x6, v3;
	v12 =	vadd.f32 v27, v12  }
0x95: {  	v31 =	vor.u32 $0x6, v4  }
0x96: {  	v32 =	vor.u32 $0x6, v5;
	[tilespmem:v26+s20+$0x0] =	vst.idx.msk $0xffff, v12  }
0x97: {  	v33 =	vor.u32 $0x6, v6;
	v13 =	vld.idx.msk [tilespmem:v28+s3+$0x0], $0xffff  }
0x98: {  	v34 =	vor.u32 $0x6, v7;
	v16 =	vld.idx.msk [tilespmem:v29+s3+$0x0], $0xffff  }
0x99: {  	v35 =	vor.u32 $0x6, v8;
	v15 =	vld.idx.msk [tilespmem:v30+s3+$0x0], $0xffff  }
0x9a: {  	v17 =	vld.idx.msk [tilespmem:v31+s3+$0x0], $0xffff  }
0x9b: {  	v12 =	vld.idx.msk [tilespmem:v32+s3+$0x0], $0xffff  }
0x9c: {  	v36 =	vor.u32 $0x6, v9;
	v14 =	vld.idx.msk [tilespmem:v33+s3+$0x0], $0xffff  }
0x9d: {  	v37 =	vor.u32 $0x6, v10;
	v18 =	vld.idx.msk [tilespmem:v34+s3+$0x0], $0xffff  }
0x9e: {  	v19 =	vld.idx.msk [tilespmem:v35+s3+$0x0], $0xffff;
	_ =	sdelay $0x2  }
0x9f: {  	v20 =	vld.idx.msk [tilespmem:v36+s3+$0x0], $0xffff  }
0xa0: {  	v21 =	vld.idx.msk [tilespmem:v37+s3+$0x0], $0xffff;
	v13 =	vadd.f32 v16, v13;
	v15 =	vadd.f32 v17, v15  }
0xa1: {  	v12 =	vadd.f32 v14, v12;
	v38 =	vadd.f32 v19, v18;
	_ =	sdelay $0x1  }
0xa2: {  	v13 =	vadd.f32 v15, v13;
	v12 =	vadd.f32 v38, v12  }
0xa3: {  	v39 =	vor.u32 $0x6, v11  }
0xa4: {  	v41 =	vor.u32 $0x7, v1;
	v40 =	vadd.f32 v21, v20;
	v12 =	vadd.f32 v12, v13  }
0xa5: {  	v42 =	vor.u32 $0x7, v2  }
0xa6: {  	v43 =	vor.u32 $0x7, v3;
	v12 =	vadd.f32 v40, v12  }
0xa7: {  	v44 =	vor.u32 $0x7, v4  }
0xa8: {  	v45 =	vor.u32 $0x7, v5;
	[tilespmem:v39+s20+$0x0] =	vst.idx.msk $0xffff, v12  }
0xa9: {  	v46 =	vor.u32 $0x7, v6;
	v13 =	vld.idx.msk [tilespmem:v41+s3+$0x0], $0xffff  }
0xaa: {  	v47 =	vor.u32 $0x7, v7;
	v16 =	vld.idx.msk [tilespmem:v42+s3+$0x0], $0xffff  }
0xab: {  	v48 =	vor.u32 $0x7, v8;
	v15 =	vld.idx.msk [tilespmem:v43+s3+$0x0], $0xffff  }
0xac: {  	v17 =	vld.idx.msk [tilespmem:v44+s3+$0x0], $0xffff  }
0xad: {  	v12 =	vld.idx.msk [tilespmem:v45+s3+$0x0], $0xffff  }
0xae: {  	v49 =	vor.u32 $0x7, v9;
	v14 =	vld.idx.msk [tilespmem:v46+s3+$0x0], $0xffff  }
0xaf: {  	v50 =	vor.u32 $0x7, v10;
	v18 =	vld.idx.msk [tilespmem:v47+s3+$0x0], $0xffff  }
0xb0: {  	v19 =	vld.idx.msk [tilespmem:v48+s3+$0x0], $0xffff;
	_ =	sdelay $0x2  }
0xb1: {  	v20 =	vld.idx.msk [tilespmem:v49+s3+$0x0], $0xffff  }
0xb2: {  	v21 =	vld.idx.msk [tilespmem:v50+s3+$0x0], $0xffff;
	v13 =	vadd.f32 v16, v13;
	v15 =	vadd.f32 v17, v15  }
0xb3: {  	v12 =	vadd.f32 v14, v12;
	v51 =	vadd.f32 v19, v18;
	_ =	sdelay $0x1  }
0xb4: {  	v13 =	vadd.f32 v15, v13;
	v12 =	vadd.f32 v51, v12  }
0xb5: {  	v52 =	vor.u32 $0x7, v11  }
0xb6: {  	v54 =	vor.u32 $0x8, v1;
	v53 =	vadd.f32 v21, v20;
	v12 =	vadd.f32 v12, v13  }
0xb7: {  	v55 =	vor.u32 $0x8, v2  }
0xb8: {  	v56 =	vor.u32 $0x8, v3;
	v12 =	vadd.f32 v53, v12  }
0xb9: {  	v57 =	vor.u32 $0x8, v4  }
0xba: {  	v58 =	vor.u32 $0x8, v5;
	[tilespmem:v52+s20+$0x0] =	vst.idx.msk $0xffff, v12  }
0xbb: {  	v59 =	vor.u32 $0x8, v6;
	v13 =	vld.idx.msk [tilespmem:v54+s3+$0x0], $0xffff  }
0xbc: {  	v60 =	vor.u32 $0x8, v7;
	v16 =	vld.idx.msk [tilespmem:v55+s3+$0x0], $0xffff  }
0xbd: {  	v61 =	vor.u32 $0x8, v8;
	v15 =	vld.idx.msk [tilespmem:v56+s3+$0x0], $0xffff  }
0xbe: {  	v17 =	vld.idx.msk [tilespmem:v57+s3+$0x0], $0xffff  }
0xbf: {  	v12 =	vld.idx.msk [tilespmem:v58+s3+$0x0], $0xffff  }
0xc0: {  	v62 =	vor.u32 $0x8, v9;
	v14 =	vld.idx.msk [tilespmem:v59+s3+$0x0], $0xffff  }
0xc1: {  	v63 =	vor.u32 $0x8, v10;
	v18 =	vld.idx.msk [tilespmem:v60+s3+$0x0], $0xffff  }
0xc2: {  	v19 =	vld.idx.msk [tilespmem:v61+s3+$0x0], $0xffff;
	_ =	sdelay $0x2  }
0xc3: {  	v20 =	vld.idx.msk [tilespmem:v62+s3+$0x0], $0xffff  }
0xc4: {  	v21 =	vld.idx.msk [tilespmem:v63+s3+$0x0], $0xffff;
	v13 =	vadd.f32 v16, v13;
	v15 =	vadd.f32 v17, v15  }
0xc5: {  	v12 =	vadd.f32 v14, v12;
	v23 =	vadd.f32 v19, v18;
	_ =	sdelay $0x1  }
0xc6: {  	v13 =	vadd.f32 v15, v13;
	v12 =	vadd.f32 v23, v12  }
0xc7: {  	v24 =	vor.u32 $0x8, v11  }
0xc8: {  	v26 =	vor.u32 $0x9, v1;
	v25 =	vadd.f32 v21, v20;
	v12 =	vadd.f32 v12, v13  }
0xc9: {  	v27 =	vor.u32 $0x9, v2  }
0xca: {  	v28 =	vor.u32 $0x9, v3;
	v12 =	vadd.f32 v25, v12  }
0xcb: {  	v29 =	vor.u32 $0x9, v4  }
0xcc: {  	v30 =	vor.u32 $0x9, v5;
	[tilespmem:v24+s20+$0x0] =	vst.idx.msk $0xffff, v12  }
0xcd: {  	v31 =	vor.u32 $0x9, v6;
	v13 =	vld.idx.msk [tilespmem:v26+s3+$0x0], $0xffff  }
0xce: {  	v32 =	vor.u32 $0x9, v7;
	v16 =	vld.idx.msk [tilespmem:v27+s3+$0x0], $0xffff  }
0xcf: {  	v33 =	vor.u32 $0x9, v8;
	v15 =	vld.idx.msk [tilespmem:v28+s3+$0x0], $0xffff  }
0xd0: {  	v17 =	vld.idx.msk [tilespmem:v29+s3+$0x0], $0xffff  }
0xd1: {  	v12 =	vld.idx.msk [tilespmem:v30+s3+$0x0], $0xffff  }
0xd2: {  	v34 =	vor.u32 $0x9, v9;
	v14 =	vld.idx.msk [tilespmem:v31+s3+$0x0], $0xffff  }
0xd3: {  	v35 =	vor.u32 $0x9, v10;
	v18 =	vld.idx.msk [tilespmem:v32+s3+$0x0], $0xffff  }
0xd4: {  	v19 =	vld.idx.msk [tilespmem:v33+s3+$0x0], $0xffff;
	_ =	sdelay $0x2  }
0xd5: {  	v20 =	vld.idx.msk [tilespmem:v34+s3+$0x0], $0xffff  }
0xd6: {  	v21 =	vld.idx.msk [tilespmem:v35+s3+$0x0], $0xffff;
	v13 =	vadd.f32 v16, v13;
	v15 =	vadd.f32 v17, v15  }
0xd7: {  	v12 =	vadd.f32 v14, v12;
	v36 =	vadd.f32 v19, v18;
	_ =	sdelay $0x1  }
0xd8: {  	v13 =	vadd.f32 v15, v13;
	v12 =	vadd.f32 v36, v12  }
0xd9: {  	v37 =	vor.u32 $0x9, v11  }
0xda: {  	v39 =	vor.u32 $0xA, v1;
	v38 =	vadd.f32 v21, v20;
	v12 =	vadd.f32 v12, v13  }
0xdb: {  	v40 =	vor.u32 $0xA, v2  }
0xdc: {  	v41 =	vor.u32 $0xA, v3;
	v12 =	vadd.f32 v38, v12  }
0xdd: {  	v42 =	vor.u32 $0xA, v4  }
0xde: {  	v43 =	vor.u32 $0xA, v5;
	[tilespmem:v37+s20+$0x0] =	vst.idx.msk $0xffff, v12  }
0xdf: {  	v44 =	vor.u32 $0xA, v6;
	v13 =	vld.idx.msk [tilespmem:v39+s3+$0x0], $0xffff  }
0xe0: {  	v45 =	vor.u32 $0xA, v7;
	v16 =	vld.idx.msk [tilespmem:v40+s3+$0x0], $0xffff  }
0xe1: {  	v46 =	vor.u32 $0xA, v8;
	v15 =	vld.idx.msk [tilespmem:v41+s3+$0x0], $0xffff  }
0xe2: {  	v17 =	vld.idx.msk [tilespmem:v42+s3+$0x0], $0xffff  }
0xe3: {  	v12 =	vld.idx.msk [tilespmem:v43+s3+$0x0], $0xffff  }
0xe4: {  	v47 =	vor.u32 $0xA, v9;
	v14 =	vld.idx.msk [tilespmem:v44+s3+$0x0], $0xffff  }
0xe5: {  	v48 =	vor.u32 $0xA, v10;
	v18 =	vld.idx.msk [tilespmem:v45+s3+$0x0], $0xffff  }
0xe6: {  	v19 =	vld.idx.msk [tilespmem:v46+s3+$0x0], $0xffff;
	_ =	sdelay $0x2  }
0xe7: {  	v20 =	vld.idx.msk [tilespmem:v47+s3+$0x0], $0xffff  }
0xe8: {  	v21 =	vld.idx.msk [tilespmem:v48+s3+$0x0], $0xffff;
	v13 =	vadd.f32 v16, v13;
	v15 =	vadd.f32 v17, v15  }
0xe9: {  	v12 =	vadd.f32 v14, v12;
	v49 =	vadd.f32 v19, v18;
	_ =	sdelay $0x1  }
0xea: {  	v13 =	vadd.f32 v15, v13;
	v12 =	vadd.f32 v49, v12  }
0xeb: {  	v50 =	vor.u32 $0xA, v11  }
0xec: {  	v52 =	vor.u32 $0xB, v1;
	v51 =	vadd.f32 v21, v20;
	v12 =	vadd.f32 v12, v13  }
0xed: {  	v53 =	vor.u32 $0xB, v2  }
0xee: {  	v54 =	vor.u32 $0xB, v3;
	v12 =	vadd.f32 v51, v12  }
0xef: {  	v55 =	vor.u32 $0xB, v4  }
0xf0: {  	v56 =	vor.u32 $0xB, v5;
	[tilespmem:v50+s20+$0x0] =	vst.idx.msk $0xffff, v12  }
0xf1: {  	v57 =	vor.u32 $0xB, v6;
	v13 =	vld.idx.msk [tilespmem:v52+s3+$0x0], $0xffff  }
0xf2: {  	v58 =	vor.u32 $0xB, v7;
	v16 =	vld.idx.msk [tilespmem:v53+s3+$0x0], $0xffff  }
0xf3: {  	v59 =	vor.u32 $0xB, v8;
	v15 =	vld.idx.msk [tilespmem:v54+s3+$0x0], $0xffff  }
0xf4: {  	v17 =	vld.idx.msk [tilespmem:v55+s3+$0x0], $0xffff  }
0xf5: {  	v12 =	vld.idx.msk [tilespmem:v56+s3+$0x0], $0xffff  }
0xf6: {  	v60 =	vor.u32 $0xB, v9;
	v14 =	vld.idx.msk [tilespmem:v57+s3+$0x0], $0xffff  }
0xf7: {  	v61 =	vor.u32 $0xB, v10;
	v18 =	vld.idx.msk [tilespmem:v58+s3+$0x0], $0xffff  }
0xf8: {  	v19 =	vld.idx.msk [tilespmem:v59+s3+$0x0], $0xffff;
	_ =	sdelay $0x2  }
0xf9: {  	v20 =	vld.idx.msk [tilespmem:v60+s3+$0x0], $0xffff  }
0xfa: {  	v21 =	vld.idx.msk [tilespmem:v61+s3+$0x0], $0xffff;
	v13 =	vadd.f32 v16, v13;
	v15 =	vadd.f32 v17, v15  }
0xfb: {  	v12 =	vadd.f32 v14, v12;
	v62 =	vadd.f32 v19, v18;
	_ =	sdelay $0x1  }
0xfc: {  	v13 =	vadd.f32 v15, v13;
	v12 =	vadd.f32 v62, v12  }
0xfd: {  	v63 =	vor.u32 $0xB, v11  }
0xfe: {  	v23 =	vor.u32 $0xC, v1;
	v22 =	vadd.f32 v21, v20;
	v12 =	vadd.f32 v12, v13  }
0xff: {  	v24 =	vor.u32 $0xC, v2  }
0x100: {  	v25 =	vor.u32 $0xC, v3;
	v12 =	vadd.f32 v22, v12  }
0x101: {  	v26 =	vor.u32 $0xC, v4  }
0x102: {  	v27 =	vor.u32 $0xC, v5;
	[tilespmem:v63+s20+$0x0] =	vst.idx.msk $0xffff, v12  }
0x103: {  	v28 =	vor.u32 $0xC, v6;
	v13 =	vld.idx.msk [tilespmem:v23+s3+$0x0], $0xffff  }
0x104: {  	v29 =	vor.u32 $0xC, v7;
	v16 =	vld.idx.msk [tilespmem:v24+s3+$0x0], $0xffff  }
0x105: {  	v30 =	vor.u32 $0xC, v8;
	v15 =	vld.idx.msk [tilespmem:v25+s3+$0x0], $0xffff  }
0x106: {  	v17 =	vld.idx.msk [tilespmem:v26+s3+$0x0], $0xffff  }
0x107: {  	v12 =	vld.idx.msk [tilespmem:v27+s3+$0x0], $0xffff  }
0x108: {  	v31 =	vor.u32 $0xC, v9;
	v14 =	vld.idx.msk [tilespmem:v28+s3+$0x0], $0xffff  }
0x109: {  	v32 =	vor.u32 $0xC, v10;
	v18 =	vld.idx.msk [tilespmem:v29+s3+$0x0], $0xffff  }
0x10a: {  	v19 =	vld.idx.msk [tilespmem:v30+s3+$0x0], $0xffff;
	_ =	sdelay $0x2  }
0x10b: {  	v20 =	vld.idx.msk [tilespmem:v31+s3+$0x0], $0xffff  }
0x10c: {  	v21 =	vld.idx.msk [tilespmem:v32+s3+$0x0], $0xffff;
	v13 =	vadd.f32 v16, v13;
	v15 =	vadd.f32 v17, v15  }
0x10d: {  	v12 =	vadd.f32 v14, v12;
	v33 =	vadd.f32 v19, v18;
	_ =	sdelay $0x1  }
0x10e: {  	v13 =	vadd.f32 v15, v13;
	v12 =	vadd.f32 v33, v12  }
0x10f: {  	v34 =	vor.u32 $0xC, v11  }
0x110: {  	v36 =	vor.u32 $0xD, v1;
	v35 =	vadd.f32 v21, v20;
	v12 =	vadd.f32 v12, v13  }
0x111: {  	v37 =	vor.u32 $0xD, v2  }
0x112: {  	v38 =	vor.u32 $0xD, v3;
	v12 =	vadd.f32 v35, v12  }
0x113: {  	v39 =	vor.u32 $0xD, v4  }
0x114: {  	v40 =	vor.u32 $0xD, v5;
	[tilespmem:v34+s20+$0x0] =	vst.idx.msk $0xffff, v12  }
0x115: {  	v41 =	vor.u32 $0xD, v6;
	v13 =	vld.idx.msk [tilespmem:v36+s3+$0x0], $0xffff  }
0x116: {  	v42 =	vor.u32 $0xD, v7;
	v16 =	vld.idx.msk [tilespmem:v37+s3+$0x0], $0xffff  }
0x117: {  	v43 =	vor.u32 $0xD, v8;
	v15 =	vld.idx.msk [tilespmem:v38+s3+$0x0], $0xffff  }
0x118: {  	v17 =	vld.idx.msk [tilespmem:v39+s3+$0x0], $0xffff  }
0x119: {  	v12 =	vld.idx.msk [tilespmem:v40+s3+$0x0], $0xffff  }
0x11a: {  	v44 =	vor.u32 $0xD, v9;
	v14 =	vld.idx.msk [tilespmem:v41+s3+$0x0], $0xffff  }
0x11b: {  	v45 =	vor.u32 $0xD, v10;
	v18 =	vld.idx.msk [tilespmem:v42+s3+$0x0], $0xffff  }
0x11c: {  	v19 =	vld.idx.msk [tilespmem:v43+s3+$0x0], $0xffff;
	_ =	sdelay $0x2  }
0x11d: {  	v20 =	vld.idx.msk [tilespmem:v44+s3+$0x0], $0xffff  }
0x11e: {  	v21 =	vld.idx.msk [tilespmem:v45+s3+$0x0], $0xffff;
	v13 =	vadd.f32 v16, v13;
	v15 =	vadd.f32 v17, v15  }
0x11f: {  	v12 =	vadd.f32 v14, v12;
	v46 =	vadd.f32 v19, v18;
	_ =	sdelay $0x1  }
0x120: {  	v13 =	vadd.f32 v15, v13;
	v12 =	vadd.f32 v46, v12  }
0x121: {  	v47 =	vor.u32 $0xD, v11  }
0x122: {  	v49 =	vor.u32 $0xE, v1;
	v48 =	vadd.f32 v21, v20;
	v12 =	vadd.f32 v12, v13  }
0x123: {  	v50 =	vor.u32 $0xE, v2  }
0x124: {  	v51 =	vor.u32 $0xE, v3;
	v12 =	vadd.f32 v48, v12  }
0x125: {  	v52 =	vor.u32 $0xE, v4  }
0x126: {  	v53 =	vor.u32 $0xE, v5;
	[tilespmem:v47+s20+$0x0] =	vst.idx.msk $0xffff, v12  }
0x127: {  	v54 =	vor.u32 $0xE, v6;
	v13 =	vld.idx.msk [tilespmem:v49+s3+$0x0], $0xffff  }
0x128: {  	v55 =	vor.u32 $0xE, v7;
	v16 =	vld.idx.msk [tilespmem:v50+s3+$0x0], $0xffff  }
0x129: {  	v56 =	vor.u32 $0xE, v8;
	v15 =	vld.idx.msk [tilespmem:v51+s3+$0x0], $0xffff  }
0x12a: {  	v17 =	vld.idx.msk [tilespmem:v52+s3+$0x0], $0xffff  }
0x12b: {  	v12 =	vld.idx.msk [tilespmem:v53+s3+$0x0], $0xffff  }
0x12c: {  	v57 =	vor.u32 $0xE, v9;
	v14 =	vld.idx.msk [tilespmem:v54+s3+$0x0], $0xffff  }
0x12d: {  	v58 =	vor.u32 $0xE, v10;
	v18 =	vld.idx.msk [tilespmem:v55+s3+$0x0], $0xffff  }
0x12e: {  	v19 =	vld.idx.msk [tilespmem:v56+s3+$0x0], $0xffff;
	_ =	sdelay $0x2  }
0x12f: {  	v20 =	vld.idx.msk [tilespmem:v57+s3+$0x0], $0xffff  }
0x130: {  	v21 =	vld.idx.msk [tilespmem:v58+s3+$0x0], $0xffff;
	v13 =	vadd.f32 v16, v13;
	v15 =	vadd.f32 v17, v15  }
0x131: {  	v12 =	vadd.f32 v14, v12;
	v59 =	vadd.f32 v19, v18;
	_ =	sdelay $0x1  }
0x132: {  	v13 =	vadd.f32 v15, v13;
	v12 =	vadd.f32 v59, v12  }
0x133: {  	v60 =	vor.u32 $0xE, v11  }
0x134: {  	v1 =	vor.u32 $0xF, v1;
	v61 =	vadd.f32 v21, v20;
	v12 =	vadd.f32 v12, v13  }
0x135: {  	v2 =	vor.u32 $0xF, v2  }
0x136: {  	v3 =	vor.u32 $0xF, v3;
	v12 =	vadd.f32 v61, v12  }
0x137: {  	v4 =	vor.u32 $0xF, v4  }
0x138: {  	v5 =	vor.u32 $0xF, v5;
	[tilespmem:v60+s20+$0x0] =	vst.idx.msk $0xffff, v12  }
0x139: {  	v6 =	vor.u32 $0xF, v6;
	v1 =	vld.idx.msk [tilespmem:v1+s3+$0x0], $0xffff  }
0x13a: {  	v7 =	vor.u32 $0xF, v7;
	v2 =	vld.idx.msk [tilespmem:v2+s3+$0x0], $0xffff  }
0x13b: {  	v8 =	vor.u32 $0xF, v8;
	v3 =	vld.idx.msk [tilespmem:v3+s3+$0x0], $0xffff  }
0x13c: {  	v4 =	vld.idx.msk [tilespmem:v4+s3+$0x0], $0xffff  }
0x13d: {  	v5 =	vld.idx.msk [tilespmem:v5+s3+$0x0], $0xffff  }
0x13e: {  	v9 =	vor.u32 $0xF, v9;
	v6 =	vld.idx.msk [tilespmem:v6+s3+$0x0], $0xffff  }
0x13f: {  	v10 =	vor.u32 $0xF, v10;
	v7 =	vld.idx.msk [tilespmem:v7+s3+$0x0], $0xffff  }
0x140: {  	v8 =	vld.idx.msk [tilespmem:v8+s3+$0x0], $0xffff;
	_ =	sdelay $0x2  }
0x141: {  	v9 =	vld.idx.msk [tilespmem:v9+s3+$0x0], $0xffff  }
0x142: {  	v10 =	vld.idx.msk [tilespmem:v10+s3+$0x0], $0xffff;
	v1 =	vadd.f32 v2, v1;
	v2 =	vadd.f32 v4, v3  }
0x143: {  	v3 =	vadd.f32 v6, v5;
	v62 =	vadd.f32 v8, v7;
	_ =	sdelay $0x1  }
0x144: {  	v1 =	vadd.f32 v2, v1;
	v2 =	vadd.f32 v62, v3  }
0x145: {  	p1 =	sne.s32 s22, $0x1F0;
	v3 =	vor.u32 $0xF, v11  }
.Ltmp0:
0x146: {  	v63 =	vadd.f32 v10, v9;
	v1 =	vadd.f32 v2, v1;
	(pc) =	sbr.rel @p1 .LBB2_3-.Ltmp0, $3  }
0x147: {  	_ = 	snop  }
0x148: {  	v1 =	vadd.f32 v63, v1;
	_ =	sdelay $0x1  }
0x149: {  	s21 =	sadd.s32 $0x10, s21;
	s22 =	sadd.s32 $0x10, s22;
	[tilespmem:v3+s20+$0x0] =	vst.idx.msk $0xffff, v1  }
0x14a: {  	s18 =	sshll.u32 s18, $0xD;
	p1 =	sne.s32 s17, $0x31  }
.Ltmp1:
0x14b: {  	s18 =	sadd.s32 s18, s8;
	(pc) =	sbr.rel @p1 .LBB2_2-.Ltmp1, $4  }
0x14c: {  	s18 =	sshrl.u32 s18, $0x3  }
0x14d: {  	s18 =	sadd.s32 s5, s18  }
0x14e: {  	[hbm4b:s18+s3] =	stream.linear.scatter [tilespmem:s20], [sflag:s19], $0x2000, $0x38;
	[tilespmem:$0x1A080] =	vst v63  }
0x14f: {  	p0 =	por !p0, !p0;
	s18 =	smov.u32 s17  }
0x150: {  	s16 =	sadd.s32 $0x1, s16  }
0x151: {  	_ =	swait.ge [sflag:s14], $0x2000;
	p0 =	sne.s32 s16, s9  }
.Ltmp2:
0x152: {  	[sflag:s14] =	ssyncset.done $0x0;
	(pc) =	sbr.rel @p0 .LBB2_1-.Ltmp2, $4  }
0x153: {  	[sflag:s14] =	ssyncadd.s32 $0xFFFFE000  }
0x154: {  	_ =	swait.ge [sflag:s15], $0x2000  }
0x155: {  	[sflag:s15] =	ssyncset.done $0x0  }
0x156: {  	[sflag:s15] =	ssyncadd.s32 $0xFFFFE000  }
0x157: {  	_ =	sfence.sel $0x180000  }
0x158: {  	[bflag:$0x0] =	sbarrier.arrive $0xFFFF  }
0x159: {  	p0 =	sne.s32 s0, $0x0;
	_ =	strace $0x90000047  }
0x15a: {  	s0 =	sadd.s32 @!p0 $0x100000, s1;
	[bflag:$0x2] =	sbarrier.arrive $0xFFFF  }
0x15b: {  	[sflag:s0] =	ssyncadd.tile.s32 @!p0 $0x1;
	_ =	shalt  }
.Lfunc_end2:
_tile_overlayer_lowered:
.L_overlay_start_2:
0x15c: {  	(tag) =	ssettag $0x2  }
0x15d: {  	s0 =	rddreg [dreg:$0x0];
	s2 =	stileid.u32  }
0x15e: {  	s1 =	rddreg [dreg:$0x1];
	p0 =	sne.s32 s2, $0x0  }
0x15f: {  	s3 =	rddreg [dreg:$0x2];
	[bflag:$0x3] =	sbarrier.arrive $0xFFFF;
	s2 =	simm.s32 @!p0 $0x1C05  }
0x160: {  	[timem:s3], [sflag:s2] =	dma.local @!p0 [hbm:s0], s1  }
0x161: {  	s0 =	simm.s32 @!p0 $0x5  }
0x162: {  	_ =	swait.ge @!p0 [sflag:s0], s1  }
0x163: {  	s1 =	ssub.s32 @!p0 $0x0, s1;
	[sflag:s0] =	ssyncset.done @!p0 $0x0  }
0x164: {  	[sflag:s0] =	ssyncadd.s32 @!p0 s1  }
0x165: {  	[bflag:$0x3] =	sbarrier.arrive $0xFFFF  }
0x166: {  	_ =	shalt  }

// kernel: sparse-core-data-format-call.1.cloned.1.call-start
scs
called_computation.1_lowered:
.L_overlay_start_0:
0x0: {  	s1 =	sld [smem:$0x3FD9]  }
0x1: {  	s2 =	sld [smem:$0x3FFE];
	_ =	sdelay $0x1  }
0x2: {  	s3 =	srdreg.scid  }
0x3: {  	s0 =	sand.u32 $0x1, s3  }
0x4: {  	s17 =	sshll.u32 s0, $0xA;
	s1 =	sadd.s32 s2, s1  }
0x5: {  	s1 =	sadd.s32 s1, s17  }
0x6: {  	[smem:$0x3FC6] =	sst s1  }
0x7: {  	_ = 	snop  }
0x8: {  	(tm) =	ssettm $0x1  }
0x9: {  	s18 =	sld [smem:$0x3FFB];
	_ =	sdelay $0x3  }
0xa: {  	_ =	strace s18  }
0xb: {  	s1 =	sld [smem:$0x3FFC];
	_ =	sdelay $0x3  }
0xc: {  	_ =	strace s1  }
0xd: {  	s1 =	sld [smem:$0x3FFD];
	_ =	sdelay $0x3  }
0xe: {  	_ =	strace s1  }
0xf: {  	_ =	strace $0x8FFFFFFF  }
0x10: {  	s19 =	sld [smem:$0x3FDB];
	_ =	sdelay $0x1  }
0x11: {  	s20 =	simm.s32 $_scs_section_size  }
0x12: {  	s4 =	simm.s32 $_size__tile_overlayer_lowered;
	s5 =	simm.s32 $_tile_overlayer_lowered  }
0x13: {  	s23 =	simm.s32 $0x1BFF;
	s22 =	sshll.u32 s5, $0x1;
	s1 =	sadd.s32 s20, s19  }
0x14: {  	s6 =	simm.s32 $0x0;
	s21 =	sshll.u32 s4, $0x1;
	s4 =	sadd.s32 s22, s1  }
0x15: {  	[timem:s6], [sflag:s23] =	dma.local [hbm:s4], s21  }
0x16: {  	_ =	swait.ge [sflag:s23], s21  }
0x17: {  	s2 =	ssub.s32 $0x0, s21;
	[sflag:s23] =	ssyncset.done $0x0  }
0x18: {  	[sflag:s23] =	ssyncadd.s32 s2;
	_ =	sdelay $0x1  }
0x19: {  	s24 =	simm.s32 $0x1B8B  }
0x1a: {  	_ =	swait.ge [sflag:s24], $0x1  }
0x1b: {  	[sflag:s24] =	ssyncset.done $0x0  }
0x1c: {  	s26 =	simm.s32 $0x1B8E;
	s25 =	sld [smem:$0x3FFE];
	[sflag:s24] =	ssyncadd.s32 $0xFFFFFFFF  }
0x1d: {  	s27 =	simm.s32 $execute0_lowered;
	[smem:$0x3FD2] =	sst s26  }
0x1e: {  	s4 =	sshll.u32 s27, $0x1;
	_ =	strace $0x80000049;
	[dreg:$0x1] =	wrdreg $0xFFFFFFFF  }
0x1f: {  	s28 =	simm.s32 $_size_execute0_lowered;
	s1 =	sadd.s32 s1, s4;
	[dreg:$0x0] =	wrdreg $0x0  }
0x20: {  	s4 =	sshll.u32 s28, $0x1;
	[dreg:$0x2] =	wrdreg s1  }
0x21: {  	[dreg:$0x3] =	wrdreg s4  }
0x22: {  	[dreg:$0x4] =	wrdreg $0xC0  }
0x23: {  	_ =	task [dreg:s6], $0x5FFFF  }
0x24: {  	[dreg:$0x1] =	wrdreg $0xFFFFFFFF  }
0x25: {  	[dreg:$0x0] =	wrdreg $0x60  }
0x26: {  	[dreg:$0x2] =	wrdreg s25  }
0x27: {  	[dreg:$0x3] =	wrdreg $0x9  }
0x28: {  	_ =	task.clear_ibuf [dreg:s6], $0x4FFFF;
	_ =	strace $0x90000049  }
0x29: {  	s29 =	simm.s32 $0x9;
	_ =	strace $0x8000004B  }
0x2a: {  	_ =	swait.ge [sflag:s29], $0x1  }
0x2b: {  	[sflag:s29] =	ssyncadd.s32 $0xFFFFFFFF  }
0x2c: {  	_ =	strace $0x9000004B  }
0x2d: {  	_ =	sfence  }
0x2e: {  	s30 =	sld [smem:$0x0];
	_ =	sdelay $0x2  }
0x2f: {  	s31 =	sshll.u32 s3, $0xD;
	s3 =	sshrl.u32 s3, $0x2  }
0x30: {  	s2 =	sand.u32 $0x4000, s31;
	s1 =	sadd.s32 s3, s30  }
0x31: {  	s0 =	sor.u32 s2, s0;
	s1 =	sshll.u32 s1, $0x11  }
0x32: {  	s0 =	sor.u32 s1, s0  }
0x33: {  	s0 =	sadd.s32 $0x8F2B, s0  }
0x34: {  	[sflag:s0] =	ssyncadd.remote.s32 $0x1  }
0x35: {  	_ =	sfence.sel $0xFFFF  }
0x36: {  	[dreg:$0x0] =	wrdreg $0xFFFFFFFF;
	(pc) =	sbr.abs _section_cstart, $3  }
0x37: {  	[dreg:$0x1] =	wrdreg $0xFFFFFFFF  }
0x38: {  	_ =	task.clear_ibuf [dreg:s6], $0x2FFFF;
	_ =	strace $0x9FFFFFFF  }
0x39: {  	(tm) =	ssettm $0x7FFFFFFF  }
tec
execute0_lowered:
.L_overlay_start_1:
0x0: {  	(tag) =	ssettag $0x1  }
0x1: {  	s3 =	rddreg [dreg:$0x0]  }
0x2: {  	s1 =	stileid.u32;
	s2 =	srdreg.scid  }
0x3: {  	s0 =	rddreg [dreg:$0x1];
	_ =	strace $0x8000004A;
	s7 =	simm.s32 $0x2  }
0x4: {  	s14 =	simm.s32 $0x0;
	p0 =	por $0x0, $0x0;
	s9 =	simm.s32 $0xC3800  }
0x5: {  	s13 =	simm.s32 $0x0;
	s4 =	sshll.u32 s1, $0x4;
	s5 =	sshll.u32 s2, $0x8  }
.Ltmp0:
0x6: {  	s12 =	simm.s32 $0x0;
	s4 =	sor.u32 s4, s5;
	(pc) =	sbr.rel .LBB1_1-.Ltmp0, $4  }
0x7: {  	s2 =	sadd.s32 $0xDDC800, s3;
	s5 =	simm.s32 $0x1;
	s4 =	sand.u32 $0x180, s4  }
0x8: {  	s3 =	sadd.s32 $0xE00, s3;
	[sflag:s5] =	ssyncpa.u1 $0x0;
	s8 =	ssub.s32 $0x18680, s4  }
0x9: {  	s6 =	sand.u32 $0x7, s1;
	[sflag:s7] =	ssyncpa.u1 $0x0;
	s7 =	sshrl.u32 s8, $0x9  }
0xa: {  	s11 =	smov.u32 s6;
	s10 =	smov.u32 s4;
	s8 =	sadd.s32 $0x2, s7  }
.LBB1_5:
0xb: {  	s15 =	sadd.s32 $0x200, s10  }
0xc: {  	s13 =	sadd.s32 $0x8, s11;
	s17 =	smov.u32 s11;
	p2 =	sgt.s32 s15, $0x1869F  }
0xd: {  	s17 =	smov.u32 @p2 s13  }
0xe: {  	s15 =	smov.u32 @p2 s4;
	p2 =	sgt.s32 s17, $0x7  }
0xf: {  	s17 =	smov.u32 @p2 s6;
	p2 =	sne.s32 s12, s8  }
.Ltmp1:
0x10: {  	p1 =	slt.u32 s12, $0x2;
	(pc) =	sbr.rel @!p2 .LBB1_6-.Ltmp1, $4  }
0x11: {  	s16 =	simm.s32 @!p1 $0x2  }
0x12: {  	s14 =	smov.u32 s10;
	p0 =	por !p0, !p0;
	_ =	swait.ge @!p1 [sflag:s16], $0x800  }
0x13: {  	s13 =	smov.u32 s11;
	[sflag:s16] =	ssyncset.done @!p1 $0x0;
	s10 =	smov.u32 s15  }
0x14: {  	s12 =	sadd.s32 $0x1, s12;
	[sflag:s16] =	ssyncadd.s32 @!p1 $0xFFFFF800;
	s11 =	smov.u32 s17  }
.LBB1_1:
0x15: {  	p1 =	sgt.u32 s12, s7  }
0x16: {  	s17 =	smov.u32 s11;
	s19 =	smov.u32 s10;
	p2 =	sgt.s32 @!p1 s11, $0x7  }
0x17: {  	s15 =	sand.u32 @!p1 $0x1FFFFFF, s10;
	s18 =	sshra.s32 @!p1 s11, $0x1F;
	p2 =	por !p2, p1  }
0x18: {  	s20 =	sshra.s32 @!p1 s10, $0x1F;
	s17 =	simm.s32 @p2 $0x7;
	p2 =	sgt.s32 @!p1 s10, $0x18620  }
0x19: {  	s16 =	smulhi.u32 @!p1 $0x14F8B59, s15;
	s18 =	sand.u32 @!p1 s18, s11;
	p2 =	por !p2, p1  }
0x1a: {  	s17 =	ssub.s32 @!p1 s17, s18;
	s18 =	sand.u32 @!p1 s20, s10;
	s19 =	simm.s32 @p2 $0x18620  }
0x1b: {  	s17 =	sadd.s32 @!p1 $0xFFFFFFF9, s17;
	s18 =	ssub.s32 @!p1 s19, s18  }
0x1c: {  	s16 =	sshrl.u32 @!p1 s16, $0x9;
	p2 =	sgt.s32 @!p1 s17, $0x0;
	s19 =	sadd.s32 @!p1 $0xFFFE79E0, s18  }
0x1d: {  	s17 =	sshll.u32 @!p1 s17, $0x4;
	s18 =	ssub.s32 @!p1 $0x186A0, s18;
	p3 =	sgt.s32 @!p1 s19, $0x7F  }
0x1e: {  	s17 =	ssub.s32 @!p1 $0x10, s17;
	p2 =	por !p2, p1;
	p3 =	por !p3, p1  }
0x1f: {  	s16 =	smul.u32 @!p1 $0x186A0, s16;
	s17 =	simm.s32 @!p2 $0x0;
	s18 =	simm.s32 @!p3 $0x0  }
0x20: {  	s19 =	sxor.u32 @!p1 $0xFFFFFFFF, s12;
	s17 =	smul.u32 @!p1 s18, s17  }
0x21: {  	s15 =	ssub.s32 @!p1 s15, s16;
	s18 =	sshll.u32 @!p1 s19, $0xB;
	s19 =	smul.u32 @!p1 $0x186A00, s11  }
0x22: {  	s15 =	sshll.u32 @!p1 s15, $0x4  }
0x23: {  	s18 =	sand.u32 @!p1 $0x800, s18;
	s16 =	sand.u32 @!p1 $0x3FFFFFF0, s17;
	s17 =	sadd.s32 @!p1 s2, s19  }
0x24: {  	s19 =	simm.s32 @!p1 $0x80;
	s15 =	sadd.s32 @!p1 s15, s17;
	s17 =	simm.s32 @!p1 $0x10  }
0x25: {  	[tilespmem:s18], [sflag:$0x1] =	stream.strided.gather @!p1 [hbm4b:s15+s17], s16, s19, s17, $0x38;
	[tilespmem:$0x2020] =	vst v63  }
0x26: {  	p1 =	seq.s32 s12, $0x0  }
0x27: {  	p2 =	sge.u32 @!p1 s12, s8  }
0x28: {  	p1 =	por p1, p2  }
.Ltmp2:
0x29: {  	_ = 	snop;
	(pc) =	sbr.rel @p1 .LBB1_5-.Ltmp2, $1  }
0x2a: {  	_ =	sdelay $0x3  }
0x2b: {  	p1 =	sgt.s32 s13, $0x7;
	s15 =	smov.u32 s13  }
0x2c: {  	s16 =	sshra.s32 s13, $0x1F;
	s17 =	smov.u32 s14;
	s18 =	sshra.s32 s14, $0x1F  }
0x2d: {  	s15 =	simm.s32 @!p1 $0x7;
	s16 =	sand.u32 s16, s13;
	p1 =	sgt.s32 s14, $0x18620  }
0x2e: {  	s27 =	sand.u32 s18, s14;
	s15 =	ssub.s32 s15, s16;
	s17 =	simm.s32 @!p1 $0x18620  }
0x2f: {  	s15 =	sadd.s32 $0xFFFFFFF9, s15;
	s16 =	ssub.s32 s17, s27  }
0x30: {  	p1 =	sgt.s32 s15, $0x0;
	s17 =	sadd.s32 $0xFFFE79E0, s16;
	s15 =	sshll.u32 s15, $0x4  }
0x31: {  	s16 =	ssub.s32 $0x186A0, s16;
	p2 =	sgt.s32 s17, $0x7F;
	s15 =	ssub.s32 $0x10, s15  }
0x32: {  	s16 =	simm.s32 @p2 $0x0;
	s15 =	simm.s32 @p1 $0x0  }
0x33: {  	s15 =	smul.u32 s16, s15;
	_ =	sdelay $0x1  }
0x34: {  	s16 =	simm.s32 $0x1;
	s15 =	sand.u32 $0x3FFFFFF0, s15  }
0x35: {  	s16 =	simm.s32 @!p0 $0x0;
	_ =	swait.ge [sflag:s5], s15  }
0x36: {  	s28 =	sshll.u32 s16, $0xB;
	s15 =	ssub.s32 $0x0, s15;
	[sflag:s5] =	ssyncset.done $0x0  }
0x37: {  	s29 =	sor.u32 $0x40, s28;
	[sflag:s5] =	ssyncadd.s32 s15  }
0x38: {  	v1 =	vld [tilespmem:s29+$0x30]  }
0x39: {  	s30 =	smul.u32 $0x2040, s16;
	v3 =	vld [tilespmem:s29+$0xFFFFFFD0]  }
0x3a: {  	v5 =	vld [tilespmem:s29+$0xFFFFFFE0]  }
0x3b: {  	s31 =	sand.u32 $0x1, s12;
	s15 =	sshrl.u32 s30, $0x2;
	v4 =	vld [tilespmem:s29+$0xFFFFFFF0]  }
0x3c: {  	s16 =	smul.u32 $0x2040, s31;
	s15 =	sor.u32 $0x1007, s15;
	v2 =	vld [tilespmem:s29+$0x0]  }
0x3d: {  	v0 =	vld [tilespmem:s29+$0x10];
	[tilespmem:s15+$0x0 ss:$0x81] =	vst.msk $0xffff, v1  }
0x3e: {  	s16 =	sshrl.u32 s16, $0x2;
	[tilespmem:s15+$0xFFFFFFFA ss:$0x81] =	vst.msk $0xffff, v3;
	v3 =	vld [tilespmem:s29+$0x20]  }
0x3f: {  	s17 =	simm.s32 $0x0;
	s18 =	sadd.s32 $0x80, s29;
	s16 =	sor.u32 $0x1000, s16;
	v1 =	vld [tilespmem:s29+$0xFFFFFFC0];
	[tilespmem:s15+$0xFFFFFFFB ss:$0x81] =	vst.msk $0xffff, v5  }
.LBB1_3:
0x40: {  	v5 =	vld [tilespmem:s18+$0x30];
	s17 =	sadd.s32 $0x8, s17;
	[tilespmem:s15+$0xFFFFFFFC ss:$0x81] =	vst.msk $0xffff, v4  }
0x41: {  	v6 =	vld [tilespmem:s18+$0xFFFFFFD0];
	p1 =	slt.u32 s17, $0x78;
	[tilespmem:s15+$0xFFFFFFFD ss:$0x81] =	vst.msk $0xffff, v2  }
0x42: {  	v7 =	vld [tilespmem:s18+$0xFFFFFFE0];
	[tilespmem:s15+$0xFFFFFFFE ss:$0x81] =	vst.msk $0xffff, v0  }
.Ltmp3:
0x43: {  	v4 =	vld [tilespmem:s18+$0xFFFFFFF0];
	[tilespmem:s15+$0xFFFFFFFF ss:$0x81] =	vst.msk $0xffff, v3;
	(pc) =	sbr.rel @p1 .LBB1_3-.Ltmp3, $4  }
0x44: {  	v2 =	vld [tilespmem:s18+$0x0];
	[tilespmem:s15+$0xFFFFFFF9 ss:$0x81] =	vst.msk $0xffff, v1;
	s15 =	sadd.s32 $0x8, s15  }
0x45: {  	v0 =	vld [tilespmem:s18+$0x10];
	[tilespmem:s15+$0x0 ss:$0x81] =	vst.msk $0xffff, v5  }
0x46: {  	[tilespmem:s15+$0xFFFFFFFA ss:$0x81] =	vst.msk $0xffff, v6;
	v3 =	vld [tilespmem:s18+$0x20]  }
0x47: {  	v1 =	vld [tilespmem:s18+$0xFFFFFFC0];
	[tilespmem:s15+$0xFFFFFFFB ss:$0x81] =	vst.msk $0xffff, v7;
	s18 =	sadd.s32 $0x80, s18  }
0x48: {  	s17 =	sshll.u32 s14, $0x3  }
0x49: {  	s29 =	sand.u32 $0x7F, s14;
	s17 =	sand.u32 $0xFFFFFC00, s17  }
0x4a: {  	s14 =	sor.u32 s29, s17;
	s17 =	smulhi.u32 $0xA79C7B17, s17  }
0x4b: {  	s18 =	smulhi.u32 $0xA79C7B17, s14;
	_ =	sdelay $0x1  }
0x4c: {  	s13 =	smul.u32 $0x30E00, s13;
	s17 =	sshrl.u32 s17, $0x10;
	s18 =	sshrl.u32 s18, $0x10  }
0x4d: {  	s17 =	sand.u32 $0xF, s17;
	s18 =	smul.u32 $0x18700, s18  }
0x4e: {  	[tilespmem:s15+$0xFFFFFFFC ss:$0x81] =	vst.msk $0xffff, v4;
	s17 =	smul.u32 $0x30E0, s17  }
.Ltmp4:
0x4f: {  	[tilespmem:s15+$0xFFFFFFFD ss:$0x81] =	vst.msk $0xffff, v2;
	s14 =	ssub.s32 s14, s18;
	(pc) =	sbr.rel .LBB1_5-.Ltmp4, $4  }
0x50: {  	[tilespmem:s15+$0xFFFFFFFE ss:$0x81] =	vst.msk $0xffff, v0;
	s13 =	sadd.s32 s3, s13;
	s18 =	sand.u32 $0x7, s14  }
0x51: {  	[tilespmem:s15+$0xFFFFFFFF ss:$0x81] =	vst.msk $0xffff, v3;
	s13 =	sadd.s32 s17, s13;
	s14 =	sshrl.u32 s14, $0x3;
	s30 =	sshll.u32 s18, $0x12  }
0x52: {  	[tilespmem:s15+$0xFFFFFFF9 ss:$0x81] =	vst.msk $0xffff, v1;
	s13 =	sadd.s32 s14, s13;
	s31 =	sor.u32 $0x400, s30  }
0x53: {  	[hbm4b:s13+s31] =	stream.strided.scatter [tilespmem:s16], [sflag:$0x2], $0x800, s9, s31, $0x20;
	[tilespmem:$0x2020] =	vst v63  }
.LBB1_6:
0x54: {  	_ =	sfence.sel $0x180000  }
0x55: {  	s2 =	simm.s32 $0x1;
	[bflag:$0x0] =	sbarrier.arrive $0xFFFF  }
0x56: {  	s31 =	simm.s32 $0x2;
	[sflag:s2] =	ssyncpa.u1 $0x1  }
0x57: {  	[sflag:s31] =	ssyncpa.u1 $0x1  }
0x58: {  	p0 =	sne.s32 s1, $0x0;
	_ =	strace $0x9000004A  }
0x59: {  	s0 =	sadd.s32 @!p0 $0x100000, s0;
	[bflag:$0x2] =	sbarrier.arrive $0xFFFF  }
0x5a: {  	[sflag:s0] =	ssyncadd.tile.s32 @!p0 $0x1;
	_ =	shalt  }
.Lfunc_end1:
_tile_overlayer_lowered:
.L_overlay_start_2:
0x5b: {  	(tag) =	ssettag $0x2  }
0x5c: {  	s0 =	rddreg [dreg:$0x0];
	s2 =	stileid.u32  }
0x5d: {  	s1 =	rddreg [dreg:$0x1];
	p0 =	sne.s32 s2, $0x0  }
0x5e: {  	s3 =	rddreg [dreg:$0x2];
	[bflag:$0x3] =	sbarrier.arrive $0xFFFF;
	s2 =	simm.s32 @!p0 $0x1C01  }
0x5f: {  	[timem:s3], [sflag:s2] =	dma.local @!p0 [hbm:s0], s1  }
0x60: {  	s0 =	simm.s32 @!p0 $0x1  }
0x61: {  	_ =	swait.ge @!p0 [sflag:s0], s1  }
0x62: {  	s1 =	ssub.s32 @!p0 $0x0, s1;
	[sflag:s0] =	ssyncset.done @!p0 $0x0  }
0x63: {  	[sflag:s0] =	ssyncadd.s32 @!p0 s1  }
0x64: {  	[bflag:$0x3] =	sbarrier.arrive $0xFFFF  }
0x65: {  	_ =	shalt  }

// kernel: sparse-core-data-format-call.cloned.1.call-start
scs
called_computation_lowered:
.L_overlay_start_0:
0x0: {  	s2 =	sld [smem:$0x3FD9]  }
0x1: {  	s3 =	sld [smem:$0x3FFE];
	_ =	sdelay $0x1  }
0x2: {  	s1 =	srdreg.scid  }
0x3: {  	s0 =	sand.u32 $0x1, s1  }
0x4: {  	s18 =	sshll.u32 s0, $0xA;
	s2 =	sadd.s32 s3, s2  }
0x5: {  	s2 =	sadd.s32 s2, s18  }
0x6: {  	[smem:$0x3FC6] =	sst s2  }
0x7: {  	_ = 	snop  }
0x8: {  	s2 =	sld [smem:$0x3FD0];
	(tm) =	ssettm $0x1  }
0x9: {  	s19 =	sld [smem:$0x3FFB];
	_ =	sdelay $0x3  }
0xa: {  	_ =	strace s19  }
0xb: {  	s3 =	sld [smem:$0x3FFC];
	_ =	sdelay $0x3  }
0xc: {  	_ =	strace s3  }
0xd: {  	s3 =	sld [smem:$0x3FFD];
	_ =	sdelay $0x3  }
0xe: {  	_ =	strace s3  }
0xf: {  	_ =	strace $0x8FFFFFFF  }
0x10: {  	s20 =	sld [smem:$0x3FDB];
	_ =	sdelay $0x1  }
0x11: {  	s4 =	simm.s32 $_scs_section_size  }
0x12: {  	s5 =	simm.s32 $_size__tile_overlayer_lowered;
	s6 =	simm.s32 $_tile_overlayer_lowered  }
0x13: {  	s23 =	simm.s32 $0x1BFF;
	s22 =	sshll.u32 s6, $0x1;
	s3 =	sadd.s32 s4, s20  }
0x14: {  	s7 =	simm.s32 $0x0;
	s21 =	sshll.u32 s5, $0x1;
	s5 =	sadd.s32 s22, s3  }
0x15: {  	[timem:s7], [sflag:s23] =	dma.local [hbm:s5], s21  }
0x16: {  	_ =	swait.ge [sflag:s23], s21  }
0x17: {  	s4 =	ssub.s32 $0x0, s21;
	[sflag:s23] =	ssyncset.done $0x0  }
0x18: {  	[sflag:s23] =	ssyncadd.s32 s4;
	_ =	sdelay $0x1  }
0x19: {  	s24 =	simm.s32 $0x1B8B  }
0x1a: {  	_ =	swait.ge [sflag:s24], $0x1  }
0x1b: {  	[sflag:s24] =	ssyncset.done $0x0  }
0x1c: {  	s26 =	simm.s32 $0x1B8E;
	s25 =	sld [smem:$0x3FFE];
	[sflag:s24] =	ssyncadd.s32 $0xFFFFFFFF  }
0x1d: {  	s27 =	simm.s32 $execute0_lowered;
	[smem:$0x3FD2] =	sst s26  }
0x1e: {  	s5 =	sshll.u32 s27, $0x1;
	_ =	strace $0x8000004C;
	[dreg:$0x1] =	wrdreg $0xFFFFFFFF  }
0x1f: {  	s28 =	simm.s32 $_size_execute0_lowered;
	s3 =	sadd.s32 s3, s5;
	[dreg:$0x0] =	wrdreg $0x0  }
0x20: {  	s5 =	sshll.u32 s28, $0x1;
	[dreg:$0x2] =	wrdreg s3  }
0x21: {  	[dreg:$0x3] =	wrdreg s5  }
0x22: {  	[dreg:$0x4] =	wrdreg $0xC0  }
0x23: {  	_ =	task [dreg:s7], $0x5FFFF  }
0x24: {  	[dreg:$0x1] =	wrdreg $0xFFFFFFFF  }
0x25: {  	[dreg:$0x0] =	wrdreg $0x60  }
0x26: {  	[dreg:$0x2] =	wrdreg s25  }
0x27: {  	[dreg:$0x3] =	wrdreg s2  }
0x28: {  	[dreg:$0x4] =	wrdreg $0x9  }
0x29: {  	_ =	task.clear_ibuf [dreg:s7], $0x5FFFF;
	_ =	strace $0x9000004C  }
0x2a: {  	s29 =	simm.s32 $0x9;
	_ =	strace $0x8000004E  }
0x2b: {  	_ =	swait.ge [sflag:s29], $0x1  }
0x2c: {  	[sflag:s29] =	ssyncadd.s32 $0xFFFFFFFF  }
0x2d: {  	_ =	strace $0x9000004E  }
0x2e: {  	_ =	sfence  }
0x2f: {  	s30 =	sld [smem:$0x0];
	_ =	sdelay $0x2  }
0x30: {  	s31 =	sshll.u32 s1, $0xD;
	s1 =	sshrl.u32 s1, $0x2  }
0x31: {  	s3 =	sand.u32 $0x4000, s31;
	s1 =	sadd.s32 s1, s30  }
0x32: {  	s0 =	sor.u32 s3, s0;
	s1 =	sshll.u32 s1, $0x11  }
0x33: {  	s0 =	sor.u32 s1, s0  }
0x34: {  	s0 =	sadd.s32 $0x8F2B, s0  }
0x35: {  	[sflag:s0] =	ssyncadd.remote.s32 $0x1  }
0x36: {  	_ =	sfence.sel $0xFFFF  }
0x37: {  	[dreg:$0x0] =	wrdreg $0xFFFFFFFF;
	(pc) =	sbr.abs _section_cstart, $3  }
0x38: {  	[dreg:$0x1] =	wrdreg $0xFFFFFFFF  }
0x39: {  	_ =	task.clear_ibuf [dreg:s7], $0x2FFFF;
	_ =	strace $0x9FFFFFFF  }
0x3a: {  	(tm) =	ssettm $0x7FFFFFFF  }
0x3b: {  	_ =	shalt  }
tec
execute0_lowered:
.L_overlay_start_1:
0x0: {  	(tag) =	ssettag $0x1  }
0x1: {  	s4 =	rddreg [dreg:$0x0]  }
0x2: {  	s0 =	srdreg.scid;
	s2 =	rddreg [dreg:$0x1]  }
0x3: {  	s1 =	stileid.u32;
	s5 =	simm.s32 $0x1;
	s7 =	simm.s32 $0x2  }
0x4: {  	s14 =	simm.s32 $0x0;
	p0 =	por $0x0, $0x0;
	s0 =	sshll.u32 s0, $0x4  }
0x5: {  	s13 =	simm.s32 $0x0;
	s8 =	simm.s32 $0x0;
	s3 =	sand.u32 $0x10, s0  }
.Ltmp0:
0x6: {  	s9 =	simm.s32 $0x0;
	s3 =	sor.u32 s1, s3;
	(pc) =	sbr.rel .LBB1_1-.Ltmp0, $4  }
0x7: {  	s11 =	simm.s32 $0x0;
	s12 =	simm.s32 $0x0;
	s3 =	sshll.u32 s3, $0x7  }
0x8: {  	s0 =	rddreg [dreg:$0x2];
	_ =	strace $0x8000004D;
	s6 =	ssub.s32 $0x18680, s3  }
0x9: {  	s4 =	sadd.s32 $0xE00, s4;
	[sflag:s5] =	ssyncpa.u1 $0x0;
	s6 =	sshrl.u32 s6, $0xC  }
0xa: {  	[sflag:s7] =	ssyncpa.u1 $0x0;
	s10 =	smov.u32 s3;
	s7 =	sadd.s32 $0x2, s6  }
.LBB1_5:
0xb: {  	p1 =	slt.u32 s12, $0x2  }
0xc: {  	p2 =	sgt.s32 @!p1 s14, $0x18620  }
0xd: {  	s15 =	smov.u32 s14;
	s16 =	sshra.s32 @!p1 s14, $0x1F;
	p2 =	por !p2, p1  }
0xe: {  	s14 =	sand.u32 @!p1 s16, s14;
	s15 =	simm.s32 @p2 $0x18620  }
0xf: {  	s14 =	ssub.s32 @!p1 s15, s14;
	s15 =	ssub.s32 @!p1 $0x0, s13  }
0x10: {  	s17 =	smov.u32 s11;
	s16 =	sadd.s32 @!p1 $0xFFFE79E0, s14;
	s13 =	smin.u32 @!p1 s13, s15  }
0x11: {  	s14 =	ssub.s32 @!p1 $0x186A0, s14;
	p2 =	sgt.s32 @!p1 s16, $0x7F;
	p3 =	sgt.s32 @!p1 s13, $0x7F  }
0x12: {  	s13 =	ssub.s32 @!p1 $0x80, s13;
	p2 =	por !p2, p1;
	p3 =	por !p3, p1  }
0x13: {  	s15 =	sadd.s32 $0x1000, s10;
	s14 =	simm.s32 @!p2 $0x0;
	s13 =	simm.s32 @!p3 $0x0  }
0x14: {  	p2 =	sgt.s32 s15, $0x1869F;
	s13 =	smul.u32 @!p1 s13, s14;
	s14 =	sadd.s32 $0x80, s11  }
0x15: {  	s17 =	smov.u32 @p2 s14  }
0x16: {  	s15 =	smov.u32 @p2 s3;
	p2 =	sgt.s32 s17, $0x7F  }
0x17: {  	s17 =	simm.s32 @p2 $0x0;
	p2 =	sne.s32 s12, s7  }
.Ltmp1:
0x18: {  	p0 =	por !p0, !p0;
	s16 =	simm.s32 @!p1 $0x2;
	(pc) =	sbr.rel @!p2 .LBB1_6-.Ltmp1, $4  }
0x19: {  	s14 =	smov.u32 s8;
	s8 =	smov.u32 s10;
	s13 =	sand.u32 @!p1 $0x3FFFFFFF, s13  }
0x1a: {  	s10 =	smov.u32 s15;
	_ =	swait.ge @!p1 [sflag:s16], s13;
	s18 =	ssub.s32 @!p1 $0x0, s13  }
0x1b: {  	s13 =	smov.u32 s9;
	s12 =	sadd.s32 $0x1, s12;
	[sflag:s16] =	ssyncset.done @!p1 $0x0  }
0x1c: {  	s9 =	smov.u32 s11;
	s11 =	smov.u32 s17;
	[sflag:s16] =	ssyncadd.s32 @!p1 s18  }
.LBB1_1:
0x1d: {  	p1 =	sgt.u32 s12, s6  }
0x1e: {  	s15 =	sshrl.u32 @!p1 s11, $0x3  }
0x1f: {  	s16 =	sshll.u32 @!p1 s10, $0x3;
	s15 =	smul.u32 @!p1 $0xC3800, s15  }
0x20: {  	s17 =	sshll.u32 @!p1 s11, $0x7;
	s16 =	sand.u32 @!p1 $0xFFFFFC00, s16  }
0x21: {  	s15 =	sadd.s32 @!p1 s15, s16;
	s16 =	sand.u32 @!p1 $0x380, s17  }
0x22: {  	s17 =	sand.u32 @!p1 $0x7F, s10;
	s15 =	sor.u32 @!p1 s16, s15  }
0x23: {  	s16 =	sor.u32 @!p1 s17, s15  }
0x24: {  	s17 =	smulhi.u32 @!p1 $0xA79C7B17, s16;
	_ =	sdelay $0x1  }
0x25: {  	s15 =	smulhi.u32 @!p1 $0xA79C7B17, s15;
	s17 =	sshrl.u32 @!p1 s17, $0x10  }
0x26: {  	s17 =	smul.u32 @!p1 $0x18700, s17  }
0x27: {  	s18 =	sxor.u32 @!p1 $0xFFFFFFFF, s12;
	s15 =	sshrl.u32 @!p1 s15, $0x10  }
0x28: {  	s18 =	sshll.u32 @!p1 s18, $0xE;
	s15 =	sand.u32 @!p1 $0x7F, s15;
	s16 =	ssub.s32 @!p1 s16, s17  }
0x29: {  	s15 =	smul.u32 @!p1 $0x30E0, s15;
	s17 =	sshrl.u32 @!p1 s16, $0x3;
	s16 =	sand.u32 @!p1 $0x7, s16  }
0x2a: {  	s18 =	sand.u32 @!p1 $0x4000, s18;
	s17 =	sadd.s32 @!p1 s4, s17;
	s16 =	sshll.u32 @!p1 s16, $0x12  }
0x2b: {  	s15 =	sadd.s32 @!p1 s15, s17;
	s16 =	sor.u32 @!p1 $0x400, s16;
	s17 =	simm.s32 @!p1 $0xC3800  }
0x2c: {  	[tilespmem:s18], [sflag:$0x1] =	stream.strided.gather @!p1 [hbm4b:s15+s16], $0x4000, s17, s16, $0x38;
	[tilespmem:$0x10100] =	vst v63  }
0x2d: {  	p1 =	seq.s32 s12, $0x0  }
0x2e: {  	p2 =	sge.u32 @!p1 s12, s7  }
0x2f: {  	p1 =	por p1, p2  }
.Ltmp2:
0x30: {  	_ = 	snop;
	(pc) =	sbr.rel @p1 .LBB1_5-.Ltmp2, $1  }
0x31: {  	_ =	sdelay $0x3  }
0x32: {  	s15 =	simm.s32 $0x1  }
0x33: {  	_ =	swait.ge [sflag:s5], $0x4000;
	s15 =	simm.s32 @!p0 $0x0  }
0x34: {  	[sflag:s5] =	ssyncset.done $0x0;
	s16 =	sshll.u32 s15, $0xE  }
0x35: {  	[sflag:s5] =	ssyncadd.s32 $0xFFFFC000;
	s16 =	sor.u32 $0x40, s16  }
0x36: {  	s15 =	smul.u32 $0x10200, s15;
	v0 =	vld [tilespmem:s16+$0x30]  }
0x37: {  	v1 =	vld [tilespmem:s16+$0xFFFFFFD0]  }
0x38: {  	s15 =	sshrl.u32 s15, $0x2;
	v5 =	vld [tilespmem:s16+$0xFFFFFFE0]  }
0x39: {  	v6 =	vld [tilespmem:s16+$0xFFFFFFF0];
	s18 =	sor.u32 $0x8000, s15  }
0x3a: {  	s31 =	sand.u32 $0x1, s12;
	v4 =	vld [tilespmem:s16+$0x0];
	s17 =	sadd.s32 $0x0, s18  }
0x3b: {  	v3 =	vld [tilespmem:s16+$0x10];
	s15 =	smul.u32 $0x10200, s31;
	[tilespmem:s17+$0x3870 ss:$0x81] =	vst.msk $0xffff, v0  }
0x3c: {  	v2 =	vld [tilespmem:s16+$0x20];
	[tilespmem:s17+$0x810 ss:$0x81] =	vst.msk $0xffff, v1  }
0x3d: {  	s15 =	sshrl.u32 s15, $0x2;
	v0 =	vld [tilespmem:s16+$0xFFFFFFC0];
	[tilespmem:s17+$0x1020 ss:$0x81] =	vst.msk $0xffff, v5;
	s16 =	sadd.s32 $0x80, s16  }
0x3e: {  	s19 =	simm.s32 $0x4;
	s20 =	simm.s32 $0x8;
	s15 =	sor.u32 $0x8000, s15;
	[tilespmem:s17+$0x1830 ss:$0x81] =	vst.msk $0xffff, v6;
	v1 =	vld [tilespmem:s16+$0x30]  }
.LBB1_3:
0x3f: {  	p1 =	sne.s32 s20, $0x1FC;
	v5 =	vld [tilespmem:s16+$0xFFFFFFD0];
	[tilespmem:s17+$0x2040 ss:$0x81] =	vst.msk $0xffff, v4  }
0x40: {  	v6 =	vld [tilespmem:s16+$0xFFFFFFE0];
	[tilespmem:s17+$0x2850 ss:$0x81] =	vst.msk $0xffff, v3  }
0x41: {  	s21 =	sshra.s32 s19, $0x2;
	s19 =	smov.u32 s20;
	v7 =	vld [tilespmem:s16+$0xFFFFFFF0];
	[tilespmem:s17+$0x3060 ss:$0x81] =	vst.msk $0xffff, v2  }
.Ltmp3:
0x42: {  	v4 =	vld [tilespmem:s16+$0x0];
	[tilespmem:s17+$0x0 ss:$0x81] =	vst.msk $0xffff, v0;
	s17 =	sadd.s32 s21, s18;
	(pc) =	sbr.rel @p1 .LBB1_3-.Ltmp3, $4  }
0x43: {  	v3 =	vld [tilespmem:s16+$0x10];
	[tilespmem:s17+$0x3870 ss:$0x81] =	vst.msk $0xffff, v1  }
0x44: {  	[tilespmem:s17+$0x810 ss:$0x81] =	vst.msk $0xffff, v5;
	v2 =	vld [tilespmem:s16+$0x20]  }
0x45: {  	v0 =	vld [tilespmem:s16+$0xFFFFFFC0];
	[tilespmem:s17+$0x1020 ss:$0x81] =	vst.msk $0xffff, v6;
	s16 =	sadd.s32 $0x80, s16  }
0x46: {  	s20 =	sadd.s32 $0x4, s20;
	v1 =	vld [tilespmem:s16+$0x30];
	[tilespmem:s17+$0x1830 ss:$0x81] =	vst.msk $0xffff, v7  }
0x47: {  	s20 =	sshll.u32 s8, $0x7;
	s21 =	sshll.u32 s9, $0x3;
	s19 =	sshra.s32 s19, $0x2  }
0x48: {  	v5 =	vld [tilespmem:s16+$0xFFFFFFD0];
	[tilespmem:s17+$0x2040 ss:$0x81] =	vst.msk $0xffff, v4;
	p1 =	sgt.s32 s8, $0x18620;
	s22 =	sand.u32 $0xFFFFFC00, s20;
	s21 =	sand.u32 $0xFFFFFC00, s21  }
0x49: {  	v58 =	vld [tilespmem:s16+$0xFFFFFFE0];
	s24 =	sshra.s32 s8, $0x1F;
	s20 =	sand.u32 $0x380, s20;
	[tilespmem:s17+$0x2850 ss:$0x81] =	vst.msk $0xffff, v3;
	s21 =	sadd.s32 s21, s22  }
0x4a: {  	v59 =	vld [tilespmem:s16+$0xFFFFFFF0];
	s26 =	ssub.s32 $0x0, s9;
	s18 =	sadd.s32 s19, s18;
	[tilespmem:s17+$0x3060 ss:$0x81] =	vst.msk $0xffff, v2;
	s23 =	sor.u32 s20, s21  }
0x4b: {  	v60 =	vld [tilespmem:s16+$0x0];
	s28 =	smin.u32 s9, s26;
	s20 =	smov.u32 s8;
	[tilespmem:s17+$0x0 ss:$0x81] =	vst.msk $0xffff, v0;
	s19 =	sshrl.u32 s23, $0x7  }
0x4c: {  	v61 =	vld [tilespmem:s16+$0x10];
	s21 =	sand.u32 s24, s8;
	s20 =	simm.s32 @!p1 $0x18620;
	[tilespmem:s18+$0x3870 ss:$0x81] =	vst.msk $0xffff, v1;
	s25 =	smulhi.u32 $0x14F8B59, s19  }
0x4d: {  	v62 =	vld [tilespmem:s16+$0x20];
	s29 =	sshrl.u32 s9, $0x3;
	p2 =	sgt.s32 s28, $0x7F;
	s20 =	ssub.s32 s20, s21;
	[tilespmem:s18+$0x810 ss:$0x81] =	vst.msk $0xffff, v5  }
0x4e: {  	v63 =	vld [tilespmem:s16+$0xFFFFFFC0];
	[tilespmem:s18+$0x1020 ss:$0x81] =	vst.msk $0xffff, v58;
	s21 =	sadd.s32 $0xFFFE79E0, s20;
	s20 =	ssub.s32 $0x186A0, s20;
	s17 =	sshrl.u32 s25, $0x9  }
0x4f: {  	[tilespmem:s18+$0x1830 ss:$0x81] =	vst.msk $0xffff, v59;
	p1 =	sgt.s32 s21, $0x7F;
	s27 =	smul.u32 $0x186A0, s17;
	s17 =	ssub.s32 $0x80, s28  }
.Ltmp4:
0x50: {  	[tilespmem:s18+$0x2040 ss:$0x81] =	vst.msk $0xffff, v60;
	s20 =	simm.s32 @p1 $0x0;
	s17 =	simm.s32 @p2 $0x0;
	(pc) =	sbr.rel .LBB1_5-.Ltmp4, $4  }
0x51: {  	s30 =	sand.u32 $0xF, s29;
	[tilespmem:s18+$0x2850 ss:$0x81] =	vst.msk $0xffff, v61;
	s16 =	ssub.s32 s19, s27;
	s17 =	smul.u32 s17, s20  }
0x52: {  	[tilespmem:s18+$0x3060 ss:$0x81] =	vst.msk $0xffff, v62;
	s19 =	sadd.s32 s2, s30;
	s16 =	sshll.u32 s16, $0x4  }
0x53: {  	s31 =	sand.u32 $0x7, s9;
	[tilespmem:s18+$0x0 ss:$0x81] =	vst.msk $0xffff, v63;
	s17 =	sand.u32 $0x3FFFFFFF, s17;
	s16 =	sadd.s32 s16, s19  }
0x54: {  	[hbm4b:s16+s31] =	stream.linear.scatter [tilespmem:s15], [sflag:$0x2], s17, $0x20;
	[tilespmem:$0x10100] =	vst v63  }
.LBB1_6:
0x55: {  	_ =	sfence.sel $0x180000  }
0x56: {  	s2 =	simm.s32 $0x1;
	[bflag:$0x0] =	sbarrier.arrive $0xFFFF  }
0x57: {  	s31 =	simm.s32 $0x2;
	[sflag:s2] =	ssyncpa.u1 $0x1  }
0x58: {  	[sflag:s31] =	ssyncpa.u1 $0x1  }
0x59: {  	p0 =	sne.s32 s1, $0x0;
	_ =	strace $0x9000004D  }
0x5a: {  	s0 =	sadd.s32 @!p0 $0x100000, s0;
	[bflag:$0x2] =	sbarrier.arrive $0xFFFF  }
0x5b: {  	[sflag:s0] =	ssyncadd.tile.s32 @!p0 $0x1;
	_ =	shalt  }
.Lfunc_end1:
_tile_overlayer_lowered:
.L_overlay_start_2:
0x5c: {  	(tag) =	ssettag $0x2  }
0x5d: {  	s0 =	rddreg [dreg:$0x0];
	s2 =	stileid.u32  }
0x5e: {  	s1 =	rddreg [dreg:$0x1];
	p0 =	sne.s32 s2, $0x0  }
0x5f: {  	s3 =	rddreg [dreg:$0x2];
	[bflag:$0x3] =	sbarrier.arrive $0xFFFF;
	s2 =	simm.s32 @!p0 $0x1C01  }
0x60: {  	[timem:s3], [sflag:s2] =	dma.local @!p0 [hbm:s0], s1  }
0x61: {  	s0 =	simm.s32 @!p0 $0x1  }
0x62: {  	_ =	swait.ge @!p0 [sflag:s0], s1  }
0x63: {  	s1 =	ssub.s32 @!p0 $0x0, s1;
	[sflag:s0] =	ssyncset.done @!p0 $0x0  }
0x64: {  	[sflag:s0] =	ssyncadd.s32 @!p0 s1  }
0x65: {  	[bflag:$0x3] =	sbarrier.arrive $0xFFFF  }
0x66: {  	_ =	shalt  }

</sc_bundles>
